<compile_context>
chip_gen: v7x
topology: tpu7x:2x2x1
jax: 0.10.2.dev20260603
libtpu: 0.0.44.dev20260713+nightly
codegen_flags: <defaults>
</compile_context>

<pallas_src>
import functools

import jax
import jax.numpy as jnp
from jax import lax
from jax.experimental import pallas as pl
from jax.experimental.pallas import tpu as pltpu
from jax.experimental.pallas import tpu_sc as plsc

_NC = 2
_NS = 16
_NW = _NC * _NS
_K = 128
_EPS = 1e-5


def _deg_parts(dst2d, zeros1d, ones128, npad, nrows):
    nch = nrows // _NW
    rpt = npad // _NS
    mesh = plsc.VectorSubcoreMesh(core_axis_name="c", subcore_axis_name="s")

    @functools.partial(
        pl.kernel,
        out_type=jax.ShapeDtypeStruct((_NC * npad,), jnp.float32),
        mesh=mesh,
        scratch_types=[
            pltpu.VMEM((nch, _K), jnp.int32),
            pltpu.VMEM((_K,), jnp.float32),
            pltpu.VMEM_SHARED((npad,), jnp.float32),
        ],
    )
    def deg_kernel(dst_hbm, z_hbm, ones_hbm, out_hbm, didx_v, ones_v, acc):
        c = lax.axis_index("c")
        s = lax.axis_index("s")
        wid = c * _NS + s
        r0 = s * rpt
        pltpu.sync_copy(z_hbm.at[pl.ds(r0, rpt)], acc.at[pl.ds(r0, rpt)])
        pltpu.sync_copy(ones_hbm, ones_v)
        pltpu.sync_copy(dst_hbm.at[pl.ds(wid * nch, nch)], didx_v)
        plsc.subcore_barrier()

        @pl.loop(0, nch)
        def _chunk(j):
            pltpu.sync_copy(ones_v, acc.at[didx_v.at[j]], add=True)

        plsc.subcore_barrier()
        pltpu.sync_copy(acc.at[pl.ds(r0, rpt)],
                        out_hbm.at[pl.ds(c * npad + r0, rpt)])

    return deg_kernel(dst2d, zeros1d, ones128)


def _scatter_sum(hs_ext, src2d, dst2d, npad, dout, nrows):
    nch = nrows // _NS
    rpt = npad // _NS
    mesh = plsc.VectorSubcoreMesh(core_axis_name="c", subcore_axis_name="s")

    @functools.partial(
        pl.kernel,
        out_type=jax.ShapeDtypeStruct((npad, dout), jnp.float32),
        mesh=mesh,
        scratch_types=[
            [pltpu.VMEM((_K,), jnp.int32) for _ in range(4)],
            [pltpu.VMEM((_K,), jnp.int32) for _ in range(4)],
            [pltpu.VMEM((_K, dout), jnp.float32) for _ in range(2)],
            pltpu.VMEM_SHARED((npad, dout), jnp.float32),
            [pltpu.SemaphoreType.DMA for _ in range(4)],
            [pltpu.SemaphoreType.DMA for _ in range(2)],
        ],
    )
    def scat_kernel(hs_hbm, src_hbm, dst_hbm, out_hbm,
                    sbufs, dbufs, rows, acc, isems, gsems):
        c = lax.axis_index("c")
        s = lax.axis_index("s")
        r0 = s * rpt
        row0 = s * nch

        @pl.when(c == 0)
        def _core0():
            pltpu.sync_copy(hs_hbm.at[pl.ds(r0, rpt)], acc.at[pl.ds(r0, rpt)])
            plsc.subcore_barrier()

            def fetch_idx(k, cc):
                pltpu.async_copy(src_hbm.at[row0 + cc], sbufs[k], isems[k])
                pltpu.async_copy(dst_hbm.at[row0 + cc], dbufs[k], isems[k])

            def wait_idx(k, cc):
                pltpu.make_async_copy(src_hbm.at[row0 + cc],
                                      sbufs[k], isems[k]).wait()
                pltpu.make_async_copy(dst_hbm.at[row0 + cc],
                                      dbufs[k], isems[k]).wait()

            def gather(k, b, cc):
                pltpu.async_copy(hs_hbm.at[sbufs[k]], rows[b], gsems[b])

            def wait_gather(b, cc):
                pltpu.make_async_copy(hs_hbm.at[sbufs[0]],
                                      rows[b], gsems[b]).wait()

            for k in range(4):
                fetch_idx(k, k)
            for b in range(2):
                wait_idx(b, b)
                gather(b, b, b)

            @pl.loop(0, nch - 4, step=4)
            def _chunk(j):
                for k in range(4):
                    cc = j + k
                    b = k % 2
                    k2 = (k + 2) % 4
                    wait_gather(b, cc)
                    pltpu.sync_copy(rows[b], acc.at[dbufs[k]], add=True)
                    fetch_idx(k, cc + 4)
                    wait_idx(k2, cc + 2)
                    gather(k2, b, cc + 2)

            for k in range(4):
                cc = nch - 4 + k
                b = k % 2
                wait_gather(b, cc)
                pltpu.sync_copy(rows[b], acc.at[dbufs[k]], add=True)
                if k < 2:
                    k2 = (k + 2) % 4
                    wait_idx(k2, cc + 2)
                    gather(k2, b, cc + 2)

            plsc.subcore_barrier()
            pltpu.sync_copy(acc.at[pl.ds(r0, rpt)], out_hbm.at[pl.ds(r0, rpt)])

    return scat_kernel(hs_ext, src2d, dst2d)


def _to_col(m, blk):
    nr = blk // 128
    rows = lax.broadcasted_iota(jnp.int32, (blk, nr), 0) // 128
    sel = (rows == lax.broadcasted_iota(jnp.int32, (blk, nr), 1))
    c = jnp.dot(sel.astype(jnp.float32), m,
                preferred_element_type=jnp.float32)
    lane = lax.broadcasted_iota(jnp.int32, (blk, 128), 1)
    vmod = lax.broadcasted_iota(jnp.int32, (blk, 128), 0) % 128
    return jnp.sum(jnp.where(lane == vmod, c, 0.0), axis=1, keepdims=True)


def _dinv_block(d0_ref, d1_ref, blk):
    d = _to_col(d0_ref[...] + d1_ref[...] + 1.0, blk)
    return lax.rsqrt(jnp.maximum(d, 1.0))


def _linear(x_ext, W, deg0, deg1, npad, din, dout, blk):
    grid = (npad // blk,)
    dblk = blk // 128

    def body(x_ref, w_ref, d0_ref, d1_ref, o_ref):
        dinv = _dinv_block(d0_ref, d1_ref, blk)
        h = jnp.dot(x_ref[...], w_ref[...], preferred_element_type=jnp.float32)
        o_ref[...] = h * dinv

    return pl.pallas_call(
        body,
        grid=grid,
        in_specs=[
            pl.BlockSpec((blk, din), lambda i: (i, 0)),
            pl.BlockSpec((din, dout), lambda i: (0, 0)),
            pl.BlockSpec((dblk, 128), lambda i: (i, 0)),
            pl.BlockSpec((dblk, 128), lambda i: (i, 0)),
        ],
        out_specs=pl.BlockSpec((blk, dout), lambda i: (i, 0)),
        out_shape=jax.ShapeDtypeStruct((npad, dout), jnp.float32),
    )(x_ext, W, deg0, deg1)


def _agg_block(p_ref, d0_ref, d1_ref, b_ref, blk):
    dinv = _dinv_block(d0_ref, d1_ref, blk)
    return p_ref[...] * dinv + b_ref[...]


def _stats(p, deg0, deg1, b2, npad, n, dout, blk):
    grid = (npad // blk,)

    def body(p_ref, d0_ref, d1_ref, b_ref, o_ref):
        i = pl.program_id(0)
        agg = _agg_block(p_ref, d0_ref, d1_ref, b_ref, blk)
        rid = lax.broadcasted_iota(jnp.int32, (blk, 1), 0) + i * blk
        agg = jnp.where(rid < n, agg, 0.0)

        @pl.when(i == 0)
        def _():
            o_ref[...] = jnp.zeros_like(o_ref)

        o_ref[0:1, :] += jnp.sum(agg, axis=0, keepdims=True)
        o_ref[1:2, :] += jnp.sum(agg * agg, axis=0, keepdims=True)

    dblk = blk // 128
    return pl.pallas_call(
        body,
        grid=grid,
        in_specs=[
            pl.BlockSpec((blk, dout), lambda i: (i, 0)),
            pl.BlockSpec((dblk, 128), lambda i: (i, 0)),
            pl.BlockSpec((dblk, 128), lambda i: (i, 0)),
            pl.BlockSpec((1, dout), lambda i: (0, 0)),
        ],
        out_specs=pl.BlockSpec((8, dout), lambda i: (0, 0)),
        out_shape=jax.ShapeDtypeStruct((8, dout), jnp.float32),
    )(p, deg0, deg1, b2)


def _batchnorm(p, deg0, deg1, b2, g2, bt2, stats, npad, n, dout, blk):
    grid = (npad // blk,)
    inv_n = 1.0 / n

    def body(p_ref, d0_ref, d1_ref, b_ref, g_ref, bt_ref, st_ref, o_ref):
        agg = _agg_block(p_ref, d0_ref, d1_ref, b_ref, blk)
        mean = st_ref[0:1, :] * inv_n
        var = st_ref[1:2, :] * inv_n - mean * mean
        y = (agg - mean) * lax.rsqrt(var + _EPS)
        y = g_ref[...] * y + bt_ref[...]
        o_ref[...] = jnp.maximum(y, 0.0)

    dblk = blk // 128
    return pl.pallas_call(
        body,
        grid=grid,
        in_specs=[
            pl.BlockSpec((blk, dout), lambda i: (i, 0)),
            pl.BlockSpec((dblk, 128), lambda i: (i, 0)),
            pl.BlockSpec((dblk, 128), lambda i: (i, 0)),
            pl.BlockSpec((1, dout), lambda i: (0, 0)),
            pl.BlockSpec((1, dout), lambda i: (0, 0)),
            pl.BlockSpec((1, dout), lambda i: (0, 0)),
            pl.BlockSpec((8, dout), lambda i: (0, 0)),
        ],
        out_specs=pl.BlockSpec((blk, dout), lambda i: (i, 0)),
        out_shape=jax.ShapeDtypeStruct((npad, dout), jnp.float32),
    )(p, deg0, deg1, b2, g2, bt2, stats)


def kernel(x, edge_index, W, b, gamma, beta):
    n, din = x.shape
    dout = W.shape[1]
    e = edge_index.shape[1]

    blk = 1024
    npad = -(-(n + 1) // blk) * blk
    grp = _NW * _K * 2
    epad = -(-e // grp) * grp
    nrows = epad // _K

    pad = jnp.full((epad - e,), n, dtype=jnp.int32)
    src2d = jnp.concatenate([edge_index[0], pad]).reshape(-1, _K)
    dst2d = jnp.concatenate([edge_index[1], pad]).reshape(-1, _K)
    x_ext = jnp.zeros((npad, din), jnp.float32).at[:n].set(x)
    zeros1d = jnp.zeros((npad,), jnp.float32)
    ones128 = jnp.ones((_K,), jnp.float32)

    degflat = _deg_parts(dst2d, zeros1d, ones128, npad, nrows)
    deg0 = degflat[:npad].reshape(npad // 128, 128)
    deg1 = degflat[npad:].reshape(npad // 128, 128)

    hs_ext = _linear(x_ext, W, deg0, deg1, npad, din, dout, blk)

    p = _scatter_sum(hs_ext, src2d, dst2d, npad, dout, nrows)

    b2 = b.reshape(1, dout)
    g2 = gamma.reshape(1, dout)
    bt2 = beta.reshape(1, dout)
    stats = _stats(p, deg0, deg1, b2, npad, n, dout, blk)
    y = _batchnorm(p, deg0, deg1, b2, g2, bt2, stats, npad, n, dout, blk)
    return y[:n]

# --- scband reference (transcript-rebuilt; emitter-appended) ---
"""Pipeline reference for scband-graph-conv-block-61314953117796 (READ-ONLY COPY).

The authoritative reference and input builder live on the scoring server;
editing this copy changes nothing except your own understanding.
"""

import jax, jax.numpy as jnp
import numpy as np

N = 10000
E = 320000
DIN = 128
DOUT = 128
EPS = 1e-5


def setup_inputs(seed: int = 0) -> dict:
    key = jax.random.key(seed)
    k1, k2, k3, k4 = jax.random.split(key, 4)
    x = jax.random.normal(k1, (N, DIN), dtype=jnp.float32)
    # int32 used so the module runs on default (x64-disabled) CPU jax;
    # semantics identical to int64 indices for this value range.
    edge_index = jax.random.randint(k2, (2, E), 0, N, dtype=jnp.int32)
    # GCNConv linear weight [DIN, DOUT] and bias [DOUT] (Glorot-ish init)
    W = jax.random.normal(k3, (DIN, DOUT), dtype=jnp.float32) * (1.0 / np.sqrt(DIN))
    b = jnp.zeros((DOUT,), dtype=jnp.float32)
    # BatchNorm1d affine params
    gamma = jnp.ones((DOUT,), dtype=jnp.float32)
    beta = jnp.zeros((DOUT,), dtype=jnp.float32)
    return {"x": x, "edge_index": edge_index, "W": W, "b": b, "gamma": gamma, "beta": beta}


def reference(x, edge_index, W, b, gamma, beta):
    n = x.shape[0]
    # --- GCNConv: add self-loops, symmetric deg^-1/2 A deg^-1/2 normalization ---
    loop = jnp.arange(n, dtype=edge_index.dtype)
    src = jnp.concatenate([edge_index[0], loop])
    dst = jnp.concatenate([edge_index[1], loop])
    deg = jax.ops.segment_sum(jnp.ones_like(src, dtype=x.dtype), dst, num_segments=n)
    dinv = jax.lax.rsqrt(jnp.maximum(deg, 1.0))
    norm = dinv[src] * dinv[dst]
    h = x @ W  # linear transform first (standard GCNConv order)
    msg = h[src] * norm[:, None]  # gather + scale
    agg = jax.ops.segment_sum(msg, dst, num_segments=n)  # scatter-add
    agg = agg + b
    # --- BatchNorm1d (training-mode batch statistics, deterministic) ---
    mean = jnp.mean(agg, axis=0)
    var = jnp.var(agg, axis=0)
    y = (agg - mean) * jax.lax.rsqrt(var + EPS)
    y = gamma * y + beta
    # --- ReLU; Dropout treated as identity (eval/deterministic) ---
    y = jax.nn.relu(y)
    return y

if __name__ == "__main__":
    import jax
    _d = setup_inputs()
    print(jax.jit(kernel)(*tuple(_d.values())))

</pallas_src>

<mosaic_0001>
#map = affine_map<(d0, d1) -> (0, 0)>
module attributes {stable_mosaic.version = 14 : i64} {
  func.func @scat_kernel(%arg0: i32, %arg1: i32, %arg2: memref<10240x128xf32, #tpu.memory_space<hbm>>, %arg3: memref<2560x128xi32, #tpu.memory_space<hbm>>, %arg4: memref<2560x128xi32, #tpu.memory_space<hbm>>, %arg5: memref<10240x128xf32, #tpu.memory_space<hbm>>, %arg6: memref<128xi32, #tpu.memory_space<vmem>>, %arg7: memref<128xi32, #tpu.memory_space<vmem>>, %arg8: memref<128xi32, #tpu.memory_space<vmem>>, %arg9: memref<128xi32, #tpu.memory_space<vmem>>, %arg10: memref<128xi32, #tpu.memory_space<vmem>>, %arg11: memref<128xi32, #tpu.memory_space<vmem>>, %arg12: memref<128xi32, #tpu.memory_space<vmem>>, %arg13: memref<128xi32, #tpu.memory_space<vmem>>, %arg14: memref<128x128xf32, #tpu.memory_space<vmem>>, %arg15: memref<128x128xf32, #tpu.memory_space<vmem>>, %arg16: memref<10240x128xf32, #tpu.memory_space<vmem_shared>>, %arg17: memref<!tpu.dma_semaphore, #tpu.memory_space<semaphore_mem>>, %arg18: memref<!tpu.dma_semaphore, #tpu.memory_space<semaphore_mem>>, %arg19: memref<!tpu.dma_semaphore, #tpu.memory_space<semaphore_mem>>, %arg20: memref<!tpu.dma_semaphore, #tpu.memory_space<semaphore_mem>>, %arg21: memref<!tpu.dma_semaphore, #tpu.memory_space<semaphore_mem>>, %arg22: memref<!tpu.dma_semaphore, #tpu.memory_space<semaphore_mem>>) attributes {dimension_semantics = [#tpu.dimension_semantics<core_parallel>, #tpu.dimension_semantics<subcore_parallel>], iteration_bounds = array<i64: 2, 16>, scalar_prefetch = 0 : i64, scratch_operands = 17 : i64, tpu.core_type = #tpu.core_type<sc_vector_subcore>, window_params = [{transform_indices = #map}, {transform_indices = #map}, {transform_indices = #map}, {transform_indices = #map}]} {
    %mul3A = arith.constant 640 : i32
    %mul3A_0 = arith.muli %arg1, %mul3A : i32
    %mul3A_1 = arith.constant 160 : i32
    %mul3A_2 = arith.muli %arg1, %mul3A_1 : i32
    %eq3A = arith.constant 0 : i32
    %eq3A_3 = arith.cmpi eq, %arg0, %eq3A : i32
    %convert_element_type3A = arith.extui %eq3A_3 : i1 to i32
    %cond3A = arith.constant 0 : i32
    %cond3A_4 = arith.cmpi ne, %convert_element_type3A, %cond3A : i32
    scf.if %cond3A_4 {
      "tpu.region"() ({
        %run_scoped3A = tpu.sem_alloc : memref<!tpu.dma_semaphore, #tpu.memory_space<semaphore_mem>>
        %dma_start3A_159 = arith.constant 0 : i32
        %dma_start3A_160 = tpu.memref_slice %arg16[%mul3A_0, %dma_start3A_159] : memref<10240x128xf32, #tpu.memory_space<vmem_shared>> -> memref<640x128xf32, #tpu.memory_space<vmem_shared>>
        %dma_start3A_161 = arith.constant 0 : i32
        %dma_start3A_162 = tpu.memref_slice %arg2[%mul3A_0, %dma_start3A_161] : memref<10240x128xf32, #tpu.memory_space<hbm>> -> memref<640x128xf32, #tpu.memory_space<hbm>>
        tpu.enqueue_dma source(%dma_start3A_162 : memref<640x128xf32, #tpu.memory_space<hbm>>) target(%dma_start3A_160 : memref<640x128xf32, #tpu.memory_space<vmem_shared>>) target_semaphore(%run_scoped3A : memref<!tpu.dma_semaphore, #tpu.memory_space<semaphore_mem>>)
        %dma_wait3A_163 = arith.constant 0 : i32
        %dma_wait3A_164 = tpu.memref_slice %arg16[%mul3A_0, %dma_wait3A_163] : memref<10240x128xf32, #tpu.memory_space<vmem_shared>> -> memref<640x128xf32, #tpu.memory_space<vmem_shared>>
        %dma_wait3A_165 = arith.constant 0 : i32
        %dma_wait3A_166 = tpu.memref_slice %arg2[%mul3A_0, %dma_wait3A_165] : memref<10240x128xf32, #tpu.memory_space<hbm>> -> memref<640x128xf32, #tpu.memory_space<hbm>>
        tpu.wait_dma2 semaphore(%run_scoped3A : memref<!tpu.dma_semaphore, #tpu.memory_space<semaphore_mem>>) src(%dma_wait3A_166 : memref<640x128xf32, #tpu.memory_space<hbm>>) dst(%dma_wait3A_164 : memref<640x128xf32, #tpu.memory_space<vmem_shared>>)
        tpu.yield
      }) : () -> ()
      %barrier3A = arith.constant 0 : index
      tpu.barrier barrier_id(%barrier3A)
      %add3A = arith.constant 0 : i32
      %add3A_5 = arith.addi %mul3A_2, %add3A : i32
      %dma_start3A = arith.constant 0 : i32
      %dma_start3A_6 = tpu.memref_slice %arg3[%add3A_5, %dma_start3A] : memref<2560x128xi32, #tpu.memory_space<hbm>> -> memref<1x128xi32, #tpu.memory_space<hbm>>
      %dma_start3A_7 = tpu.memref_squeeze %dma_start3A_6 : memref<1x128xi32, #tpu.memory_space<hbm>> -> memref<128xi32, #tpu.memory_space<hbm>>
      %dma_start3A_8 = arith.constant 0 : i32
      %dma_start3A_9 = tpu.memref_slice %arg3[%add3A_5, %dma_start3A_8] : memref<2560x128xi32, #tpu.memory_space<hbm>> -> memref<1x128xi32, #tpu.memory_space<hbm>>
      %dma_start3A_10 = tpu.memref_squeeze %dma_start3A_9 : memref<1x128xi32, #tpu.memory_space<hbm>> -> memref<128xi32, #tpu.memory_space<hbm>>
      tpu.enqueue_dma source(%dma_start3A_10 : memref<128xi32, #tpu.memory_space<hbm>>) target(%arg6 : memref<128xi32, #tpu.memory_space<vmem>>) target_semaphore(%arg17 : memref<!tpu.dma_semaphore, #tpu.memory_space<semaphore_mem>>)
      %add3A_11 = arith.constant 0 : i32
      %add3A_12 = arith.addi %mul3A_2, %add3A_11 : i32
      %dma_start3A_13 = arith.constant 0 : i32
      %dma_start3A_14 = tpu.memref_slice %arg4[%add3A_12, %dma_start3A_13] : memref<2560x128xi32, #tpu.memory_space<hbm>> -> memref<1x128xi32, #tpu.memory_space<hbm>>
      %dma_start3A_15 = tpu.memref_squeeze %dma_start3A_14 : memref<1x128xi32, #tpu.memory_space<hbm>> -> memref<128xi32, #tpu.memory_space<hbm>>
      %dma_start3A_16 = arith.constant 0 : i32
      %dma_start3A_17 = tpu.memref_slice %arg4[%add3A_12, %dma_start3A_16] : memref<2560x128xi32, #tpu.memory_space<hbm>> -> memref<1x128xi32, #tpu.memory_space<hbm>>
      %dma_start3A_18 = tpu.memref_squeeze %dma_start3A_17 : memref<1x128xi32, #tpu.memory_space<hbm>> -> memref<128xi32, #tpu.memory_space<hbm>>
      tpu.enqueue_dma source(%dma_start3A_18 : memref<128xi32, #tpu.memory_space<hbm>>) target(%arg10 : memref<128xi32, #tpu.memory_space<vmem>>) target_semaphore(%arg17 : memref<!tpu.dma_semaphore, #tpu.memory_space<semaphore_mem>>)
      %add3A_19 = arith.constant 1 : i32
      %add3A_20 = arith.addi %mul3A_2, %add3A_19 : i32
      %dma_start3A_21 = arith.constant 0 : i32
      %dma_start3A_22 = tpu.memref_slice %arg3[%add3A_20, %dma_start3A_21] : memref<2560x128xi32, #tpu.memory_space<hbm>> -> memref<1x128xi32, #tpu.memory_space<hbm>>
      %dma_start3A_23 = tpu.memref_squeeze %dma_start3A_22 : memref<1x128xi32, #tpu.memory_space<hbm>> -> memref<128xi32, #tpu.memory_space<hbm>>
      %dma_start3A_24 = arith.constant 0 : i32
      %dma_start3A_25 = tpu.memref_slice %arg3[%add3A_20, %dma_start3A_24] : memref<2560x128xi32, #tpu.memory_space<hbm>> -> memref<1x128xi32, #tpu.memory_space<hbm>>
      %dma_start3A_26 = tpu.memref_squeeze %dma_start3A_25 : memref<1x128xi32, #tpu.memory_space<hbm>> -> memref<128xi32, #tpu.memory_space<hbm>>
      tpu.enqueue_dma source(%dma_start3A_26 : memref<128xi32, #tpu.memory_space<hbm>>) target(%arg7 : memref<128xi32, #tpu.memory_space<vmem>>) target_semaphore(%arg18 : memref<!tpu.dma_semaphore, #tpu.memory_space<semaphore_mem>>)
      %add3A_27 = arith.constant 1 : i32
      %add3A_28 = arith.addi %mul3A_2, %add3A_27 : i32
      %dma_start3A_29 = arith.constant 0 : i32
      %dma_start3A_30 = tpu.memref_slice %arg4[%add3A_28, %dma_start3A_29] : memref<2560x128xi32, #tpu.memory_space<hbm>> -> memref<1x128xi32, #tpu.memory_space<hbm>>
      %dma_start3A_31 = tpu.memref_squeeze %dma_start3A_30 : memref<1x128xi32, #tpu.memory_space<hbm>> -> memref<128xi32, #tpu.memory_space<hbm>>
      %dma_start3A_32 = arith.constant 0 : i32
      %dma_start3A_33 = tpu.memref_slice %arg4[%add3A_28, %dma_start3A_32] : memref<2560x128xi32, #tpu.memory_space<hbm>> -> memref<1x128xi32, #tpu.memory_space<hbm>>
      %dma_start3A_34 = tpu.memref_squeeze %dma_start3A_33 : memref<1x128xi32, #tpu.memory_space<hbm>> -> memref<128xi32, #tpu.memory_space<hbm>>
      tpu.enqueue_dma source(%dma_start3A_34 : memref<128xi32, #tpu.memory_space<hbm>>) target(%arg11 : memref<128xi32, #tpu.memory_space<vmem>>) target_semaphore(%arg18 : memref<!tpu.dma_semaphore, #tpu.memory_space<semaphore_mem>>)
      %add3A_35 = arith.constant 2 : i32
      %add3A_36 = arith.addi %mul3A_2, %add3A_35 : i32
      %dma_start3A_37 = arith.constant 0 : i32
      %dma_start3A_38 = tpu.memref_slice %arg3[%add3A_36, %dma_start3A_37] : memref<2560x128xi32, #tpu.memory_space<hbm>> -> memref<1x128xi32, #tpu.memory_space<hbm>>
      %dma_start3A_39 = tpu.memref_squeeze %dma_start3A_38 : memref<1x128xi32, #tpu.memory_space<hbm>> -> memref<128xi32, #tpu.memory_space<hbm>>
      %dma_start3A_40 = arith.constant 0 : i32
      %dma_start3A_41 = tpu.memref_slice %arg3[%add3A_36, %dma_start3A_40] : memref<2560x128xi32, #tpu.memory_space<hbm>> -> memref<1x128xi32, #tpu.memory_space<hbm>>
      %dma_start3A_42 = tpu.memref_squeeze %dma_start3A_41 : memref<1x128xi32, #tpu.memory_space<hbm>> -> memref<128xi32, #tpu.memory_space<hbm>>
      tpu.enqueue_dma source(%dma_start3A_42 : memref<128xi32, #tpu.memory_space<hbm>>) target(%arg8 : memref<128xi32, #tpu.memory_space<vmem>>) target_semaphore(%arg19 : memref<!tpu.dma_semaphore, #tpu.memory_space<semaphore_mem>>)
      %add3A_43 = arith.constant 2 : i32
      %add3A_44 = arith.addi %mul3A_2, %add3A_43 : i32
      %dma_start3A_45 = arith.constant 0 : i32
      %dma_start3A_46 = tpu.memref_slice %arg4[%add3A_44, %dma_start3A_45] : memref<2560x128xi32, #tpu.memory_space<hbm>> -> memref<1x128xi32, #tpu.memory_space<hbm>>
      %dma_start3A_47 = tpu.memref_squeeze %dma_start3A_46 : memref<1x128xi32, #tpu.memory_space<hbm>> -> memref<128xi32, #tpu.memory_space<hbm>>
      %dma_start3A_48 = arith.constant 0 : i32
      %dma_start3A_49 = tpu.memref_slice %arg4[%add3A_44, %dma_start3A_48] : memref<2560x128xi32, #tpu.memory_space<hbm>> -> memref<1x128xi32, #tpu.memory_space<hbm>>
      %dma_start3A_50 = tpu.memref_squeeze %dma_start3A_49 : memref<1x128xi32, #tpu.memory_space<hbm>> -> memref<128xi32, #tpu.memory_space<hbm>>
      tpu.enqueue_dma source(%dma_start3A_50 : memref<128xi32, #tpu.memory_space<hbm>>) target(%arg12 : memref<128xi32, #tpu.memory_space<vmem>>) target_semaphore(%arg19 : memref<!tpu.dma_semaphore, #tpu.memory_space<semaphore_mem>>)
      %add3A_51 = arith.constant 3 : i32
      %add3A_52 = arith.addi %mul3A_2, %add3A_51 : i32
      %dma_start3A_53 = arith.constant 0 : i32
      %dma_start3A_54 = tpu.memref_slice %arg3[%add3A_52, %dma_start3A_53] : memref<2560x128xi32, #tpu.memory_space<hbm>> -> memref<1x128xi32, #tpu.memory_space<hbm>>
      %dma_start3A_55 = tpu.memref_squeeze %dma_start3A_54 : memref<1x128xi32, #tpu.memory_space<hbm>> -> memref<128xi32, #tpu.memory_space<hbm>>
      %dma_start3A_56 = arith.constant 0 : i32
      %dma_start3A_57 = tpu.memref_slice %arg3[%add3A_52, %dma_start3A_56] : memref<2560x128xi32, #tpu.memory_space<hbm>> -> memref<1x128xi32, #tpu.memory_space<hbm>>
      %dma_start3A_58 = tpu.memref_squeeze %dma_start3A_57 : memref<1x128xi32, #tpu.memory_space<hbm>> -> memref<128xi32, #tpu.memory_space<hbm>>
      tpu.enqueue_dma source(%dma_start3A_58 : memref<128xi32, #tpu.memory_space<hbm>>) target(%arg9 : memref<128xi32, #tpu.memory_space<vmem>>) target_semaphore(%arg20 : memref<!tpu.dma_semaphore, #tpu.memory_space<semaphore_mem>>)
      %add3A_59 = arith.constant 3 : i32
      %add3A_60 = arith.addi %mul3A_2, %add3A_59 : i32
      %dma_start3A_61 = arith.constant 0 : i32
      %dma_start3A_62 = tpu.memref_slice %arg4[%add3A_60, %dma_start3A_61] : memref<2560x128xi32, #tpu.memory_space<hbm>> -> memref<1x128xi32, #tpu.memory_space<hbm>>
      %dma_start3A_63 = tpu.memref_squeeze %dma_start3A_62 : memref<1x128xi32, #tpu.memory_space<hbm>> -> memref<128xi32, #tpu.memory_space<hbm>>
      %dma_start3A_64 = arith.constant 0 : i32
      %dma_start3A_65 = tpu.memref_slice %arg4[%add3A_60, %dma_start3A_64] : memref<2560x128xi32, #tpu.memory_space<hbm>> -> memref<1x128xi32, #tpu.memory_space<hbm>>
      %dma_start3A_66 = tpu.memref_squeeze %dma_start3A_65 : memref<1x128xi32, #tpu.memory_space<hbm>> -> memref<128xi32, #tpu.memory_space<hbm>>
      tpu.enqueue_dma source(%dma_start3A_66 : memref<128xi32, #tpu.memory_space<hbm>>) target(%arg13 : memref<128xi32, #tpu.memory_space<vmem>>) target_semaphore(%arg20 : memref<!tpu.dma_semaphore, #tpu.memory_space<semaphore_mem>>)
      %add3A_67 = arith.constant 0 : i32
      %add3A_68 = arith.addi %mul3A_2, %add3A_67 : i32
      %dma_wait3A = arith.constant 0 : i32
      %dma_wait3A_69 = tpu.memref_slice %arg3[%add3A_68, %dma_wait3A] : memref<2560x128xi32, #tpu.memory_space<hbm>> -> memref<1x128xi32, #tpu.memory_space<hbm>>
      %dma_wait3A_70 = tpu.memref_squeeze %dma_wait3A_69 : memref<1x128xi32, #tpu.memory_space<hbm>> -> memref<128xi32, #tpu.memory_space<hbm>>
      %dma_wait3A_71 = arith.constant 0 : i32
      %dma_wait3A_72 = tpu.memref_slice %arg3[%add3A_68, %dma_wait3A_71] : memref<2560x128xi32, #tpu.memory_space<hbm>> -> memref<1x128xi32, #tpu.memory_space<hbm>>
      %dma_wait3A_73 = tpu.memref_squeeze %dma_wait3A_72 : memref<1x128xi32, #tpu.memory_space<hbm>> -> memref<128xi32, #tpu.memory_space<hbm>>
      tpu.wait_dma2 semaphore(%arg17 : memref<!tpu.dma_semaphore, #tpu.memory_space<semaphore_mem>>) src(%dma_wait3A_73 : memref<128xi32, #tpu.memory_space<hbm>>) dst(%arg6 : memref<128xi32, #tpu.memory_space<vmem>>)
      %add3A_74 = arith.constant 0 : i32
      %add3A_75 = arith.addi %mul3A_2, %add3A_74 : i32
      %dma_wait3A_76 = arith.constant 0 : i32
      %dma_wait3A_77 = tpu.memref_slice %arg4[%add3A_75, %dma_wait3A_76] : memref<2560x128xi32, #tpu.memory_space<hbm>> -> memref<1x128xi32, #tpu.memory_space<hbm>>
      %dma_wait3A_78 = tpu.memref_squeeze %dma_wait3A_77 : memref<1x128xi32, #tpu.memory_space<hbm>> -> memref<128xi32, #tpu.memory_space<hbm>>
      %dma_wait3A_79 = arith.constant 0 : i32
      %dma_wait3A_80 = tpu.memref_slice %arg4[%add3A_75, %dma_wait3A_79] : memref<2560x128xi32, #tpu.memory_space<hbm>> -> memref<1x128xi32, #tpu.memory_space<hbm>>
      %dma_wait3A_81 = tpu.memref_squeeze %dma_wait3A_80 : memref<1x128xi32, #tpu.memory_space<hbm>> -> memref<128xi32, #tpu.memory_space<hbm>>
      tpu.wait_dma2 semaphore(%arg17 : memref<!tpu.dma_semaphore, #tpu.memory_space<semaphore_mem>>) src(%dma_wait3A_81 : memref<128xi32, #tpu.memory_space<hbm>>) dst(%arg10 : memref<128xi32, #tpu.memory_space<vmem>>)
      %dma_start3A_82 = arith.constant 0 : i32
      %dma_start3A_83 = arith.constant 0 : i32
      %dma_start3A_84 = tpu.memref_slice %arg2[%dma_start3A_82, %dma_start3A_83] : memref<10240x128xf32, #tpu.memory_space<hbm>> -> memref<10240x128xf32, #tpu.memory_space<hbm>>
      tpu.enqueue_indirect_dma source(%dma_start3A_84 : memref<10240x128xf32, #tpu.memory_space<hbm>>) target(%arg14 : memref<128x128xf32, #tpu.memory_space<vmem>>) offsets(%arg6 : memref<128xi32, #tpu.memory_space<vmem>>) semaphore(%arg21 : memref<!tpu.dma_semaphore, #tpu.memory_space<semaphore_mem>>)
      %add3A_85 = arith.constant 1 : i32
      %add3A_86 = arith.addi %mul3A_2, %add3A_85 : i32
      %dma_wait3A_87 = arith.constant 0 : i32
      %dma_wait3A_88 = tpu.memref_slice %arg3[%add3A_86, %dma_wait3A_87] : memref<2560x128xi32, #tpu.memory_space<hbm>> -> memref<1x128xi32, #tpu.memory_space<hbm>>
      %dma_wait3A_89 = tpu.memref_squeeze %dma_wait3A_88 : memref<1x128xi32, #tpu.memory_space<hbm>> -> memref<128xi32, #tpu.memory_space<hbm>>
      %dma_wait3A_90 = arith.constant 0 : i32
      %dma_wait3A_91 = tpu.memref_slice %arg3[%add3A_86, %dma_wait3A_90] : memref<2560x128xi32, #tpu.memory_space<hbm>> -> memref<1x128xi32, #tpu.memory_space<hbm>>
      %dma_wait3A_92 = tpu.memref_squeeze %dma_wait3A_91 : memref<1x128xi32, #tpu.memory_space<hbm>> -> memref<128xi32, #tpu.memory_space<hbm>>
      tpu.wait_dma2 semaphore(%arg18 : memref<!tpu.dma_semaphore, #tpu.memory_space<semaphore_mem>>) src(%dma_wait3A_92 : memref<128xi32, #tpu.memory_space<hbm>>) dst(%arg7 : memref<128xi32, #tpu.memory_space<vmem>>)
      %add3A_93 = arith.constant 1 : i32
      %add3A_94 = arith.addi %mul3A_2, %add3A_93 : i32
      %dma_wait3A_95 = arith.constant 0 : i32
      %dma_wait3A_96 = tpu.memref_slice %arg4[%add3A_94, %dma_wait3A_95] : memref<2560x128xi32, #tpu.memory_space<hbm>> -> memref<1x128xi32, #tpu.memory_space<hbm>>
      %dma_wait3A_97 = tpu.memref_squeeze %dma_wait3A_96 : memref<1x128xi32, #tpu.memory_space<hbm>> -> memref<128xi32, #tpu.memory_space<hbm>>
      %dma_wait3A_98 = arith.constant 0 : i32
      %dma_wait3A_99 = tpu.memref_slice %arg4[%add3A_94, %dma_wait3A_98] : memref<2560x128xi32, #tpu.memory_space<hbm>> -> memref<1x128xi32, #tpu.memory_space<hbm>>
      %dma_wait3A_100 = tpu.memref_squeeze %dma_wait3A_99 : memref<1x128xi32, #tpu.memory_space<hbm>> -> memref<128xi32, #tpu.memory_space<hbm>>
      tpu.wait_dma2 semaphore(%arg18 : memref<!tpu.dma_semaphore, #tpu.memory_space<semaphore_mem>>) src(%dma_wait3A_100 : memref<128xi32, #tpu.memory_space<hbm>>) dst(%arg11 : memref<128xi32, #tpu.memory_space<vmem>>)
      %dma_start3A_101 = arith.constant 0 : i32
      %dma_start3A_102 = arith.constant 0 : i32
      %dma_start3A_103 = tpu.memref_slice %arg2[%dma_start3A_101, %dma_start3A_102] : memref<10240x128xf32, #tpu.memory_space<hbm>> -> memref<10240x128xf32, #tpu.memory_space<hbm>>
      tpu.enqueue_indirect_dma source(%dma_start3A_103 : memref<10240x128xf32, #tpu.memory_space<hbm>>) target(%arg15 : memref<128x128xf32, #tpu.memory_space<vmem>>) offsets(%arg7 : memref<128xi32, #tpu.memory_space<vmem>>) semaphore(%arg22 : memref<!tpu.dma_semaphore, #tpu.memory_space<semaphore_mem>>)
      %scan3A = arith.constant 0 : i32
      %scan3A_104 = arith.constant 39 : i32
      %scan3A_105 = arith.addi %scan3A, %scan3A_104 : i32
      %scan3A_106 = arith.constant 1 : i32
      scf.for %scan3A_159 = %scan3A to %scan3A_105 step %scan3A_106  : i32 {
        %mul3A_160 = arith.constant 4 : i32
        %mul3A_161 = arith.muli %scan3A_159, %mul3A_160 : i32
        %add3A_162 = arith.constant 0 : i32
        %add3A_163 = arith.addi %add3A_162, %mul3A_161 : i32
        %add3A_164 = arith.constant 0 : i32
        %add3A_165 = arith.addi %add3A_163, %add3A_164 : i32
        %dma_wait3A_166 = arith.constant 0 : i32
        %dma_wait3A_167 = arith.constant 0 : i32
        %dma_wait3A_168 = tpu.memref_slice %arg2[%dma_wait3A_166, %dma_wait3A_167] : memref<10240x128xf32, #tpu.memory_space<hbm>> -> memref<10240x128xf32, #tpu.memory_space<hbm>>
        tpu.wait_indirect_dma semaphore(%arg21 : memref<!tpu.dma_semaphore, #tpu.memory_space<semaphore_mem>>) src(%dma_wait3A_168 : memref<10240x128xf32, #tpu.memory_space<hbm>>) dst(%arg14 : memref<128x128xf32, #tpu.memory_space<vmem>>)
        "tpu.region"() ({
          %run_scoped3A = tpu.sem_alloc : memref<!tpu.dma_semaphore, #tpu.memory_space<semaphore_mem>>
          %dma_start3A_332 = arith.constant 0 : i32
          %dma_start3A_333 = arith.constant 0 : i32
          %dma_start3A_334 = tpu.memref_slice %arg16[%dma_start3A_332, %dma_start3A_333] : memref<10240x128xf32, #tpu.memory_space<vmem_shared>> -> memref<10240x128xf32, #tpu.memory_space<vmem_shared>>
          tpu.enqueue_indirect_dma source(%arg14 : memref<128x128xf32, #tpu.memory_space<vmem>>) target(%dma_start3A_334 : memref<10240x128xf32, #tpu.memory_space<vmem_shared>>) offsets(%arg10 : memref<128xi32, #tpu.memory_space<vmem>>) semaphore(%run_scoped3A : memref<!tpu.dma_semaphore, #tpu.memory_space<semaphore_mem>>) {add = true}
          %dma_wait3A_335 = arith.constant 0 : i32
          %dma_wait3A_336 = arith.constant 0 : i32
          %dma_wait3A_337 = tpu.memref_slice %arg16[%dma_wait3A_335, %dma_wait3A_336] : memref<10240x128xf32, #tpu.memory_space<vmem_shared>> -> memref<10240x128xf32, #tpu.memory_space<vmem_shared>>
          tpu.wait_indirect_dma semaphore(%run_scoped3A : memref<!tpu.dma_semaphore, #tpu.memory_space<semaphore_mem>>) src(%arg14 : memref<128x128xf32, #tpu.memory_space<vmem>>) dst(%dma_wait3A_337 : memref<10240x128xf32, #tpu.memory_space<vmem_shared>>)
          tpu.yield
        }) : () -> ()
        %add3A_169 = arith.constant 4 : i32
        %add3A_170 = arith.addi %add3A_165, %add3A_169 : i32
        %add3A_171 = arith.addi %mul3A_2, %add3A_170 : i32
        %dma_start3A_172 = arith.constant 0 : i32
        %dma_start3A_173 = tpu.memref_slice %arg3[%add3A_171, %dma_start3A_172] : memref<2560x128xi32, #tpu.memory_space<hbm>> -> memref<1x128xi32, #tpu.memory_space<hbm>>
        %dma_start3A_174 = tpu.memref_squeeze %dma_start3A_173 : memref<1x128xi32, #tpu.memory_space<hbm>> -> memref<128xi32, #tpu.memory_space<hbm>>
        %dma_start3A_175 = arith.constant 0 : i32
        %dma_start3A_176 = tpu.memref_slice %arg3[%add3A_171, %dma_start3A_175] : memref<2560x128xi32, #tpu.memory_space<hbm>> -> memref<1x128xi32, #tpu.memory_space<hbm>>
        %dma_start3A_177 = tpu.memref_squeeze %dma_start3A_176 : memref<1x128xi32, #tpu.memory_space<hbm>> -> memref<128xi32, #tpu.memory_space<hbm>>
        tpu.enqueue_dma source(%dma_start3A_177 : memref<128xi32, #tpu.memory_space<hbm>>) target(%arg6 : memref<128xi32, #tpu.memory_space<vmem>>) target_semaphore(%arg17 : memref<!tpu.dma_semaphore, #tpu.memory_space<semaphore_mem>>)
        %add3A_178 = arith.addi %mul3A_2, %add3A_170 : i32
        %dma_start3A_179 = arith.constant 0 : i32
        %dma_start3A_180 = tpu.memref_slice %arg4[%add3A_178, %dma_start3A_179] : memref<2560x128xi32, #tpu.memory_space<hbm>> -> memref<1x128xi32, #tpu.memory_space<hbm>>
        %dma_start3A_181 = tpu.memref_squeeze %dma_start3A_180 : memref<1x128xi32, #tpu.memory_space<hbm>> -> memref<128xi32, #tpu.memory_space<hbm>>
        %dma_start3A_182 = arith.constant 0 : i32
        %dma_start3A_183 = tpu.memref_slice %arg4[%add3A_178, %dma_start3A_182] : memref<2560x128xi32, #tpu.memory_space<hbm>> -> memref<1x128xi32, #tpu.memory_space<hbm>>
        %dma_start3A_184 = tpu.memref_squeeze %dma_start3A_183 : memref<1x128xi32, #tpu.memory_space<hbm>> -> memref<128xi32, #tpu.memory_space<hbm>>
        tpu.enqueue_dma source(%dma_start3A_184 : memref<128xi32, #tpu.memory_space<hbm>>) target(%arg10 : memref<128xi32, #tpu.memory_space<vmem>>) target_semaphore(%arg17 : memref<!tpu.dma_semaphore, #tpu.memory_space<semaphore_mem>>)
        %add3A_185 = arith.constant 2 : i32
        %add3A_186 = arith.addi %add3A_165, %add3A_185 : i32
        %add3A_187 = arith.addi %mul3A_2, %add3A_186 : i32
        %dma_wait3A_188 = arith.constant 0 : i32
        %dma_wait3A_189 = tpu.memref_slice %arg3[%add3A_187, %dma_wait3A_188] : memref<2560x128xi32, #tpu.memory_space<hbm>> -> memref<1x128xi32, #tpu.memory_space<hbm>>
        %dma_wait3A_190 = tpu.memref_squeeze %dma_wait3A_189 : memref<1x128xi32, #tpu.memory_space<hbm>> -> memref<128xi32, #tpu.memory_space<hbm>>
        %dma_wait3A_191 = arith.constant 0 : i32
        %dma_wait3A_192 = tpu.memref_slice %arg3[%add3A_187, %dma_wait3A_191] : memref<2560x128xi32, #tpu.memory_space<hbm>> -> memref<1x128xi32, #tpu.memory_space<hbm>>
        %dma_wait3A_193 = tpu.memref_squeeze %dma_wait3A_192 : memref<1x128xi32, #tpu.memory_space<hbm>> -> memref<128xi32, #tpu.memory_space<hbm>>
        tpu.wait_dma2 semaphore(%arg19 : memref<!tpu.dma_semaphore, #tpu.memory_space<semaphore_mem>>) src(%dma_wait3A_193 : memref<128xi32, #tpu.memory_space<hbm>>) dst(%arg8 : memref<128xi32, #tpu.memory_space<vmem>>)
        %add3A_194 = arith.addi %mul3A_2, %add3A_186 : i32
        %dma_wait3A_195 = arith.constant 0 : i32
        %dma_wait3A_196 = tpu.memref_slice %arg4[%add3A_194, %dma_wait3A_195] : memref<2560x128xi32, #tpu.memory_space<hbm>> -> memref<1x128xi32, #tpu.memory_space<hbm>>
        %dma_wait3A_197 = tpu.memref_squeeze %dma_wait3A_196 : memref<1x128xi32, #tpu.memory_space<hbm>> -> memref<128xi32, #tpu.memory_space<hbm>>
        %dma_wait3A_198 = arith.constant 0 : i32
        %dma_wait3A_199 = tpu.memref_slice %arg4[%add3A_194, %dma_wait3A_198] : memref<2560x128xi32, #tpu.memory_space<hbm>> -> memref<1x128xi32, #tpu.memory_space<hbm>>
        %dma_wait3A_200 = tpu.memref_squeeze %dma_wait3A_199 : memref<1x128xi32, #tpu.memory_space<hbm>> -> memref<128xi32, #tpu.memory_space<hbm>>
        tpu.wait_dma2 semaphore(%arg19 : memref<!tpu.dma_semaphore, #tpu.memory_space<semaphore_mem>>) src(%dma_wait3A_200 : memref<128xi32, #tpu.memory_space<hbm>>) dst(%arg12 : memref<128xi32, #tpu.memory_space<vmem>>)
        %add3A_201 = arith.constant 2 : i32
        %add3A_202 = arith.addi %add3A_165, %add3A_201 : i32
        %dma_start3A_203 = arith.constant 0 : i32
        %dma_start3A_204 = arith.constant 0 : i32
        %dma_start3A_205 = tpu.memref_slice %arg2[%dma_start3A_203, %dma_start3A_204] : memref<10240x128xf32, #tpu.memory_space<hbm>> -> memref<10240x128xf32, #tpu.memory_space<hbm>>
        tpu.enqueue_indirect_dma source(%dma_start3A_205 : memref<10240x128xf32, #tpu.memory_space<hbm>>) target(%arg14 : memref<128x128xf32, #tpu.memory_space<vmem>>) offsets(%arg8 : memref<128xi32, #tpu.memory_space<vmem>>) semaphore(%arg21 : memref<!tpu.dma_semaphore, #tpu.memory_space<semaphore_mem>>)
        %add3A_206 = arith.constant 1 : i32
        %add3A_207 = arith.addi %add3A_163, %add3A_206 : i32
        %dma_wait3A_208 = arith.constant 0 : i32
        %dma_wait3A_209 = arith.constant 0 : i32
        %dma_wait3A_210 = tpu.memref_slice %arg2[%dma_wait3A_208, %dma_wait3A_209] : memref<10240x128xf32, #tpu.memory_space<hbm>> -> memref<10240x128xf32, #tpu.memory_space<hbm>>
        tpu.wait_indirect_dma semaphore(%arg22 : memref<!tpu.dma_semaphore, #tpu.memory_space<semaphore_mem>>) src(%dma_wait3A_210 : memref<10240x128xf32, #tpu.memory_space<hbm>>) dst(%arg15 : memref<128x128xf32, #tpu.memory_space<vmem>>)
        "tpu.region"() ({
          %run_scoped3A = tpu.sem_alloc : memref<!tpu.dma_semaphore, #tpu.memory_space<semaphore_mem>>
          %dma_start3A_332 = arith.constant 0 : i32
          %dma_start3A_333 = arith.constant 0 : i32
          %dma_start3A_334 = tpu.memref_slice %arg16[%dma_start3A_332, %dma_start3A_333] : memref<10240x128xf32, #tpu.memory_space<vmem_shared>> -> memref<10240x128xf32, #tpu.memory_space<vmem_shared>>
          tpu.enqueue_indirect_dma source(%arg15 : memref<128x128xf32, #tpu.memory_space<vmem>>) target(%dma_start3A_334 : memref<10240x128xf32, #tpu.memory_space<vmem_shared>>) offsets(%arg11 : memref<128xi32, #tpu.memory_space<vmem>>) semaphore(%run_scoped3A : memref<!tpu.dma_semaphore, #tpu.memory_space<semaphore_mem>>) {add = true}
          %dma_wait3A_335 = arith.constant 0 : i32
          %dma_wait3A_336 = arith.constant 0 : i32
          %dma_wait3A_337 = tpu.memref_slice %arg16[%dma_wait3A_335, %dma_wait3A_336] : memref<10240x128xf32, #tpu.memory_space<vmem_shared>> -> memref<10240x128xf32, #tpu.memory_space<vmem_shared>>
          tpu.wait_indirect_dma semaphore(%run_scoped3A : memref<!tpu.dma_semaphore, #tpu.memory_space<semaphore_mem>>) src(%arg15 : memref<128x128xf32, #tpu.memory_space<vmem>>) dst(%dma_wait3A_337 : memref<10240x128xf32, #tpu.memory_space<vmem_shared>>)
          tpu.yield
        }) : () -> ()
        %add3A_211 = arith.constant 4 : i32
        %add3A_212 = arith.addi %add3A_207, %add3A_211 : i32
        %add3A_213 = arith.addi %mul3A_2, %add3A_212 : i32
        %dma_start3A_214 = arith.constant 0 : i32
        %dma_start3A_215 = tpu.memref_slice %arg3[%add3A_213, %dma_start3A_214] : memref<2560x128xi32, #tpu.memory_space<hbm>> -> memref<1x128xi32, #tpu.memory_space<hbm>>
        %dma_start3A_216 = tpu.memref_squeeze %dma_start3A_215 : memref<1x128xi32, #tpu.memory_space<hbm>> -> memref<128xi32, #tpu.memory_space<hbm>>
        %dma_start3A_217 = arith.constant 0 : i32
        %dma_start3A_218 = tpu.memref_slice %arg3[%add3A_213, %dma_start3A_217] : memref<2560x128xi32, #tpu.memory_space<hbm>> -> memref<1x128xi32, #tpu.memory_space<hbm>>
        %dma_start3A_219 = tpu.memref_squeeze %dma_start3A_218 : memref<1x128xi32, #tpu.memory_space<hbm>> -> memref<128xi32, #tpu.memory_space<hbm>>
        tpu.enqueue_dma source(%dma_start3A_219 : memref<128xi32, #tpu.memory_space<hbm>>) target(%arg7 : memref<128xi32, #tpu.memory_space<vmem>>) target_semaphore(%arg18 : memref<!tpu.dma_semaphore, #tpu.memory_space<semaphore_mem>>)
        %add3A_220 = arith.addi %mul3A_2, %add3A_212 : i32
        %dma_start3A_221 = arith.constant 0 : i32
        %dma_start3A_222 = tpu.memref_slice %arg4[%add3A_220, %dma_start3A_221] : memref<2560x128xi32, #tpu.memory_space<hbm>> -> memref<1x128xi32, #tpu.memory_space<hbm>>
        %dma_start3A_223 = tpu.memref_squeeze %dma_start3A_222 : memref<1x128xi32, #tpu.memory_space<hbm>> -> memref<128xi32, #tpu.memory_space<hbm>>
        %dma_start3A_224 = arith.constant 0 : i32
        %dma_start3A_225 = tpu.memref_slice %arg4[%add3A_220, %dma_start3A_224] : memref<2560x128xi32, #tpu.memory_space<hbm>> -> memref<1x128xi32, #tpu.memory_space<hbm>>
        %dma_start3A_226 = tpu.memref_squeeze %dma_start3A_225 : memref<1x128xi32, #tpu.memory_space<hbm>> -> memref<128xi32, #tpu.memory_space<hbm>>
        tpu.enqueue_dma source(%dma_start3A_226 : memref<128xi32, #tpu.memory_space<hbm>>) target(%arg11 : memref<128xi32, #tpu.memory_space<vmem>>) target_semaphore(%arg18 : memref<!tpu.dma_semaphore, #tpu.memory_space<semaphore_mem>>)
        %add3A_227 = arith.constant 2 : i32
        %add3A_228 = arith.addi %add3A_207, %add3A_227 : i32
        %add3A_229 = arith.addi %mul3A_2, %add3A_228 : i32
        %dma_wait3A_230 = arith.constant 0 : i32
        %dma_wait3A_231 = tpu.memref_slice %arg3[%add3A_229, %dma_wait3A_230] : memref<2560x128xi32, #tpu.memory_space<hbm>> -> memref<1x128xi32, #tpu.memory_space<hbm>>
        %dma_wait3A_232 = tpu.memref_squeeze %dma_wait3A_231 : memref<1x128xi32, #tpu.memory_space<hbm>> -> memref<128xi32, #tpu.memory_space<hbm>>
        %dma_wait3A_233 = arith.constant 0 : i32
        %dma_wait3A_234 = tpu.memref_slice %arg3[%add3A_229, %dma_wait3A_233] : memref<2560x128xi32, #tpu.memory_space<hbm>> -> memref<1x128xi32, #tpu.memory_space<hbm>>
        %dma_wait3A_235 = tpu.memref_squeeze %dma_wait3A_234 : memref<1x128xi32, #tpu.memory_space<hbm>> -> memref<128xi32, #tpu.memory_space<hbm>>
        tpu.wait_dma2 semaphore(%arg20 : memref<!tpu.dma_semaphore, #tpu.memory_space<semaphore_mem>>) src(%dma_wait3A_235 : memref<128xi32, #tpu.memory_space<hbm>>) dst(%arg9 : memref<128xi32, #tpu.memory_space<vmem>>)
        %add3A_236 = arith.addi %mul3A_2, %add3A_228 : i32
        %dma_wait3A_237 = arith.constant 0 : i32
        %dma_wait3A_238 = tpu.memref_slice %arg4[%add3A_236, %dma_wait3A_237] : memref<2560x128xi32, #tpu.memory_space<hbm>> -> memref<1x128xi32, #tpu.memory_space<hbm>>
        %dma_wait3A_239 = tpu.memref_squeeze %dma_wait3A_238 : memref<1x128xi32, #tpu.memory_space<hbm>> -> memref<128xi32, #tpu.memory_space<hbm>>
        %dma_wait3A_240 = arith.constant 0 : i32
        %dma_wait3A_241 = tpu.memref_slice %arg4[%add3A_236, %dma_wait3A_240] : memref<2560x128xi32, #tpu.memory_space<hbm>> -> memref<1x128xi32, #tpu.memory_space<hbm>>
        %dma_wait3A_242 = tpu.memref_squeeze %dma_wait3A_241 : memref<1x128xi32, #tpu.memory_space<hbm>> -> memref<128xi32, #tpu.memory_space<hbm>>
        tpu.wait_dma2 semaphore(%arg20 : memref<!tpu.dma_semaphore, #tpu.memory_space<semaphore_mem>>) src(%dma_wait3A_242 : memref<128xi32, #tpu.memory_space<hbm>>) dst(%arg13 : memref<128xi32, #tpu.memory_space<vmem>>)
        %add3A_243 = arith.constant 2 : i32
        %add3A_244 = arith.addi %add3A_207, %add3A_243 : i32
        %dma_start3A_245 = arith.constant 0 : i32
        %dma_start3A_246 = arith.constant 0 : i32
        %dma_start3A_247 = tpu.memref_slice %arg2[%dma_start3A_245, %dma_start3A_246] : memref<10240x128xf32, #tpu.memory_space<hbm>> -> memref<10240x128xf32, #tpu.memory_space<hbm>>
        tpu.enqueue_indirect_dma source(%dma_start3A_247 : memref<10240x128xf32, #tpu.memory_space<hbm>>) target(%arg15 : memref<128x128xf32, #tpu.memory_space<vmem>>) offsets(%arg9 : memref<128xi32, #tpu.memory_space<vmem>>) semaphore(%arg22 : memref<!tpu.dma_semaphore, #tpu.memory_space<semaphore_mem>>)
        %add3A_248 = arith.constant 2 : i32
        %add3A_249 = arith.addi %add3A_163, %add3A_248 : i32
        %dma_wait3A_250 = arith.constant 0 : i32
        %dma_wait3A_251 = arith.constant 0 : i32
        %dma_wait3A_252 = tpu.memref_slice %arg2[%dma_wait3A_250, %dma_wait3A_251] : memref<10240x128xf32, #tpu.memory_space<hbm>> -> memref<10240x128xf32, #tpu.memory_space<hbm>>
        tpu.wait_indirect_dma semaphore(%arg21 : memref<!tpu.dma_semaphore, #tpu.memory_space<semaphore_mem>>) src(%dma_wait3A_252 : memref<10240x128xf32, #tpu.memory_space<hbm>>) dst(%arg14 : memref<128x128xf32, #tpu.memory_space<vmem>>)
        "tpu.region"() ({
          %run_scoped3A = tpu.sem_alloc : memref<!tpu.dma_semaphore, #tpu.memory_space<semaphore_mem>>
          %dma_start3A_332 = arith.constant 0 : i32
          %dma_start3A_333 = arith.constant 0 : i32
          %dma_start3A_334 = tpu.memref_slice %arg16[%dma_start3A_332, %dma_start3A_333] : memref<10240x128xf32, #tpu.memory_space<vmem_shared>> -> memref<10240x128xf32, #tpu.memory_space<vmem_shared>>
          tpu.enqueue_indirect_dma source(%arg14 : memref<128x128xf32, #tpu.memory_space<vmem>>) target(%dma_start3A_334 : memref<10240x128xf32, #tpu.memory_space<vmem_shared>>) offsets(%arg12 : memref<128xi32, #tpu.memory_space<vmem>>) semaphore(%run_scoped3A : memref<!tpu.dma_semaphore, #tpu.memory_space<semaphore_mem>>) {add = true}
          %dma_wait3A_335 = arith.constant 0 : i32
          %dma_wait3A_336 = arith.constant 0 : i32
          %dma_wait3A_337 = tpu.memref_slice %arg16[%dma_wait3A_335, %dma_wait3A_336] : memref<10240x128xf32, #tpu.memory_space<vmem_shared>> -> memref<10240x128xf32, #tpu.memory_space<vmem_shared>>
          tpu.wait_indirect_dma semaphore(%run_scoped3A : memref<!tpu.dma_semaphore, #tpu.memory_space<semaphore_mem>>) src(%arg14 : memref<128x128xf32, #tpu.memory_space<vmem>>) dst(%dma_wait3A_337 : memref<10240x128xf32, #tpu.memory_space<vmem_shared>>)
          tpu.yield
        }) : () -> ()
        %add3A_253 = arith.constant 4 : i32
        %add3A_254 = arith.addi %add3A_249, %add3A_253 : i32
        %add3A_255 = arith.addi %mul3A_2, %add3A_254 : i32
        %dma_start3A_256 = arith.constant 0 : i32
        %dma_start3A_257 = tpu.memref_slice %arg3[%add3A_255, %dma_start3A_256] : memref<2560x128xi32, #tpu.memory_space<hbm>> -> memref<1x128xi32, #tpu.memory_space<hbm>>
        %dma_start3A_258 = tpu.memref_squeeze %dma_start3A_257 : memref<1x128xi32, #tpu.memory_space<hbm>> -> memref<128xi32, #tpu.memory_space<hbm>>
        %dma_start3A_259 = arith.constant 0 : i32
        %dma_start3A_260 = tpu.memref_slice %arg3[%add3A_255, %dma_start3A_259] : memref<2560x128xi32, #tpu.memory_space<hbm>> -> memref<1x128xi32, #tpu.memory_space<hbm>>
        %dma_start3A_261 = tpu.memref_squeeze %dma_start3A_260 : memref<1x128xi32, #tpu.memory_space<hbm>> -> memref<128xi32, #tpu.memory_space<hbm>>
        tpu.enqueue_dma source(%dma_start3A_261 : memref<128xi32, #tpu.memory_space<hbm>>) target(%arg8 : memref<128xi32, #tpu.memory_space<vmem>>) target_semaphore(%arg19 : memref<!tpu.dma_semaphore, #tpu.memory_space<semaphore_mem>>)
        %add3A_262 = arith.addi %mul3A_2, %add3A_254 : i32
        %dma_start3A_263 = arith.constant 0 : i32
        %dma_start3A_264 = tpu.memref_slice %arg4[%add3A_262, %dma_start3A_263] : memref<2560x128xi32, #tpu.memory_space<hbm>> -> memref<1x128xi32, #tpu.memory_space<hbm>>
        %dma_start3A_265 = tpu.memref_squeeze %dma_start3A_264 : memref<1x128xi32, #tpu.memory_space<hbm>> -> memref<128xi32, #tpu.memory_space<hbm>>
        %dma_start3A_266 = arith.constant 0 : i32
        %dma_start3A_267 = tpu.memref_slice %arg4[%add3A_262, %dma_start3A_266] : memref<2560x128xi32, #tpu.memory_space<hbm>> -> memref<1x128xi32, #tpu.memory_space<hbm>>
        %dma_start3A_268 = tpu.memref_squeeze %dma_start3A_267 : memref<1x128xi32, #tpu.memory_space<hbm>> -> memref<128xi32, #tpu.memory_space<hbm>>
        tpu.enqueue_dma source(%dma_start3A_268 : memref<128xi32, #tpu.memory_space<hbm>>) target(%arg12 : memref<128xi32, #tpu.memory_space<vmem>>) target_semaphore(%arg19 : memref<!tpu.dma_semaphore, #tpu.memory_space<semaphore_mem>>)
        %add3A_269 = arith.constant 2 : i32
        %add3A_270 = arith.addi %add3A_249, %add3A_269 : i32
        %add3A_271 = arith.addi %mul3A_2, %add3A_270 : i32
        %dma_wait3A_272 = arith.constant 0 : i32
        %dma_wait3A_273 = tpu.memref_slice %arg3[%add3A_271, %dma_wait3A_272] : memref<2560x128xi32, #tpu.memory_space<hbm>> -> memref<1x128xi32, #tpu.memory_space<hbm>>
        %dma_wait3A_274 = tpu.memref_squeeze %dma_wait3A_273 : memref<1x128xi32, #tpu.memory_space<hbm>> -> memref<128xi32, #tpu.memory_space<hbm>>
        %dma_wait3A_275 = arith.constant 0 : i32
        %dma_wait3A_276 = tpu.memref_slice %arg3[%add3A_271, %dma_wait3A_275] : memref<2560x128xi32, #tpu.memory_space<hbm>> -> memref<1x128xi32, #tpu.memory_space<hbm>>
        %dma_wait3A_277 = tpu.memref_squeeze %dma_wait3A_276 : memref<1x128xi32, #tpu.memory_space<hbm>> -> memref<128xi32, #tpu.memory_space<hbm>>
        tpu.wait_dma2 semaphore(%arg17 : memref<!tpu.dma_semaphore, #tpu.memory_space<semaphore_mem>>) src(%dma_wait3A_277 : memref<128xi32, #tpu.memory_space<hbm>>) dst(%arg6 : memref<128xi32, #tpu.memory_space<vmem>>)
        %add3A_278 = arith.addi %mul3A_2, %add3A_270 : i32
        %dma_wait3A_279 = arith.constant 0 : i32
        %dma_wait3A_280 = tpu.memref_slice %arg4[%add3A_278, %dma_wait3A_279] : memref<2560x128xi32, #tpu.memory_space<hbm>> -> memref<1x128xi32, #tpu.memory_space<hbm>>
        %dma_wait3A_281 = tpu.memref_squeeze %dma_wait3A_280 : memref<1x128xi32, #tpu.memory_space<hbm>> -> memref<128xi32, #tpu.memory_space<hbm>>
        %dma_wait3A_282 = arith.constant 0 : i32
        %dma_wait3A_283 = tpu.memref_slice %arg4[%add3A_278, %dma_wait3A_282] : memref<2560x128xi32, #tpu.memory_space<hbm>> -> memref<1x128xi32, #tpu.memory_space<hbm>>
        %dma_wait3A_284 = tpu.memref_squeeze %dma_wait3A_283 : memref<1x128xi32, #tpu.memory_space<hbm>> -> memref<128xi32, #tpu.memory_space<hbm>>
        tpu.wait_dma2 semaphore(%arg17 : memref<!tpu.dma_semaphore, #tpu.memory_space<semaphore_mem>>) src(%dma_wait3A_284 : memref<128xi32, #tpu.memory_space<hbm>>) dst(%arg10 : memref<128xi32, #tpu.memory_space<vmem>>)
        %add3A_285 = arith.constant 2 : i32
        %add3A_286 = arith.addi %add3A_249, %add3A_285 : i32
        %dma_start3A_287 = arith.constant 0 : i32
        %dma_start3A_288 = arith.constant 0 : i32
        %dma_start3A_289 = tpu.memref_slice %arg2[%dma_start3A_287, %dma_start3A_288] : memref<10240x128xf32, #tpu.memory_space<hbm>> -> memref<10240x128xf32, #tpu.memory_space<hbm>>
        tpu.enqueue_indirect_dma source(%dma_start3A_289 : memref<10240x128xf32, #tpu.memory_space<hbm>>) target(%arg14 : memref<128x128xf32, #tpu.memory_space<vmem>>) offsets(%arg6 : memref<128xi32, #tpu.memory_space<vmem>>) semaphore(%arg21 : memref<!tpu.dma_semaphore, #tpu.memory_space<semaphore_mem>>)
        %add3A_290 = arith.constant 3 : i32
        %add3A_291 = arith.addi %add3A_163, %add3A_290 : i32
        %dma_wait3A_292 = arith.constant 0 : i32
        %dma_wait3A_293 = arith.constant 0 : i32
        %dma_wait3A_294 = tpu.memref_slice %arg2[%dma_wait3A_292, %dma_wait3A_293] : memref<10240x128xf32, #tpu.memory_space<hbm>> -> memref<10240x128xf32, #tpu.memory_space<hbm>>
        tpu.wait_indirect_dma semaphore(%arg22 : memref<!tpu.dma_semaphore, #tpu.memory_space<semaphore_mem>>) src(%dma_wait3A_294 : memref<10240x128xf32, #tpu.memory_space<hbm>>) dst(%arg15 : memref<128x128xf32, #tpu.memory_space<vmem>>)
        "tpu.region"() ({
          %run_scoped3A = tpu.sem_alloc : memref<!tpu.dma_semaphore, #tpu.memory_space<semaphore_mem>>
          %dma_start3A_332 = arith.constant 0 : i32
          %dma_start3A_333 = arith.constant 0 : i32
          %dma_start3A_334 = tpu.memref_slice %arg16[%dma_start3A_332, %dma_start3A_333] : memref<10240x128xf32, #tpu.memory_space<vmem_shared>> -> memref<10240x128xf32, #tpu.memory_space<vmem_shared>>
          tpu.enqueue_indirect_dma source(%arg15 : memref<128x128xf32, #tpu.memory_space<vmem>>) target(%dma_start3A_334 : memref<10240x128xf32, #tpu.memory_space<vmem_shared>>) offsets(%arg13 : memref<128xi32, #tpu.memory_space<vmem>>) semaphore(%run_scoped3A : memref<!tpu.dma_semaphore, #tpu.memory_space<semaphore_mem>>) {add = true}
          %dma_wait3A_335 = arith.constant 0 : i32
          %dma_wait3A_336 = arith.constant 0 : i32
          %dma_wait3A_337 = tpu.memref_slice %arg16[%dma_wait3A_335, %dma_wait3A_336] : memref<10240x128xf32, #tpu.memory_space<vmem_shared>> -> memref<10240x128xf32, #tpu.memory_space<vmem_shared>>
          tpu.wait_indirect_dma semaphore(%run_scoped3A : memref<!tpu.dma_semaphore, #tpu.memory_space<semaphore_mem>>) src(%arg15 : memref<128x128xf32, #tpu.memory_space<vmem>>) dst(%dma_wait3A_337 : memref<10240x128xf32, #tpu.memory_space<vmem_shared>>)
          tpu.yield
        }) : () -> ()
        %add3A_295 = arith.constant 4 : i32
        %add3A_296 = arith.addi %add3A_291, %add3A_295 : i32
        %add3A_297 = arith.addi %mul3A_2, %add3A_296 : i32
        %dma_start3A_298 = arith.constant 0 : i32
        %dma_start3A_299 = tpu.memref_slice %arg3[%add3A_297, %dma_start3A_298] : memref<2560x128xi32, #tpu.memory_space<hbm>> -> memref<1x128xi32, #tpu.memory_space<hbm>>
        %dma_start3A_300 = tpu.memref_squeeze %dma_start3A_299 : memref<1x128xi32, #tpu.memory_space<hbm>> -> memref<128xi32, #tpu.memory_space<hbm>>
        %dma_start3A_301 = arith.constant 0 : i32
        %dma_start3A_302 = tpu.memref_slice %arg3[%add3A_297, %dma_start3A_301] : memref<2560x128xi32, #tpu.memory_space<hbm>> -> memref<1x128xi32, #tpu.memory_space<hbm>>
        %dma_start3A_303 = tpu.memref_squeeze %dma_start3A_302 : memref<1x128xi32, #tpu.memory_space<hbm>> -> memref<128xi32, #tpu.memory_space<hbm>>
        tpu.enqueue_dma source(%dma_start3A_303 : memref<128xi32, #tpu.memory_space<hbm>>) target(%arg9 : memref<128xi32, #tpu.memory_space<vmem>>) target_semaphore(%arg20 : memref<!tpu.dma_semaphore, #tpu.memory_space<semaphore_mem>>)
        %add3A_304 = arith.addi %mul3A_2, %add3A_296 : i32
        %dma_start3A_305 = arith.constant 0 : i32
        %dma_start3A_306 = tpu.memref_slice %arg4[%add3A_304, %dma_start3A_305] : memref<2560x128xi32, #tpu.memory_space<hbm>> -> memref<1x128xi32, #tpu.memory_space<hbm>>
        %dma_start3A_307 = tpu.memref_squeeze %dma_start3A_306 : memref<1x128xi32, #tpu.memory_space<hbm>> -> memref<128xi32, #tpu.memory_space<hbm>>
        %dma_start3A_308 = arith.constant 0 : i32
        %dma_start3A_309 = tpu.memref_slice %arg4[%add3A_304, %dma_start3A_308] : memref<2560x128xi32, #tpu.memory_space<hbm>> -> memref<1x128xi32, #tpu.memory_space<hbm>>
        %dma_start3A_310 = tpu.memref_squeeze %dma_start3A_309 : memref<1x128xi32, #tpu.memory_space<hbm>> -> memref<128xi32, #tpu.memory_space<hbm>>
        tpu.enqueue_dma source(%dma_start3A_310 : memref<128xi32, #tpu.memory_space<hbm>>) target(%arg13 : memref<128xi32, #tpu.memory_space<vmem>>) target_semaphore(%arg20 : memref<!tpu.dma_semaphore, #tpu.memory_space<semaphore_mem>>)
        %add3A_311 = arith.constant 2 : i32
        %add3A_312 = arith.addi %add3A_291, %add3A_311 : i32
        %add3A_313 = arith.addi %mul3A_2, %add3A_312 : i32
        %dma_wait3A_314 = arith.constant 0 : i32
        %dma_wait3A_315 = tpu.memref_slice %arg3[%add3A_313, %dma_wait3A_314] : memref<2560x128xi32, #tpu.memory_space<hbm>> -> memref<1x128xi32, #tpu.memory_space<hbm>>
        %dma_wait3A_316 = tpu.memref_squeeze %dma_wait3A_315 : memref<1x128xi32, #tpu.memory_space<hbm>> -> memref<128xi32, #tpu.memory_space<hbm>>
        %dma_wait3A_317 = arith.constant 0 : i32
        %dma_wait3A_318 = tpu.memref_slice %arg3[%add3A_313, %dma_wait3A_317] : memref<2560x128xi32, #tpu.memory_space<hbm>> -> memref<1x128xi32, #tpu.memory_space<hbm>>
        %dma_wait3A_319 = tpu.memref_squeeze %dma_wait3A_318 : memref<1x128xi32, #tpu.memory_space<hbm>> -> memref<128xi32, #tpu.memory_space<hbm>>
        tpu.wait_dma2 semaphore(%arg18 : memref<!tpu.dma_semaphore, #tpu.memory_space<semaphore_mem>>) src(%dma_wait3A_319 : memref<128xi32, #tpu.memory_space<hbm>>) dst(%arg7 : memref<128xi32, #tpu.memory_space<vmem>>)
        %add3A_320 = arith.addi %mul3A_2, %add3A_312 : i32
        %dma_wait3A_321 = arith.constant 0 : i32
        %dma_wait3A_322 = tpu.memref_slice %arg4[%add3A_320, %dma_wait3A_321] : memref<2560x128xi32, #tpu.memory_space<hbm>> -> memref<1x128xi32, #tpu.memory_space<hbm>>
        %dma_wait3A_323 = tpu.memref_squeeze %dma_wait3A_322 : memref<1x128xi32, #tpu.memory_space<hbm>> -> memref<128xi32, #tpu.memory_space<hbm>>
        %dma_wait3A_324 = arith.constant 0 : i32
        %dma_wait3A_325 = tpu.memref_slice %arg4[%add3A_320, %dma_wait3A_324] : memref<2560x128xi32, #tpu.memory_space<hbm>> -> memref<1x128xi32, #tpu.memory_space<hbm>>
        %dma_wait3A_326 = tpu.memref_squeeze %dma_wait3A_325 : memref<1x128xi32, #tpu.memory_space<hbm>> -> memref<128xi32, #tpu.memory_space<hbm>>
        tpu.wait_dma2 semaphore(%arg18 : memref<!tpu.dma_semaphore, #tpu.memory_space<semaphore_mem>>) src(%dma_wait3A_326 : memref<128xi32, #tpu.memory_space<hbm>>) dst(%arg11 : memref<128xi32, #tpu.memory_space<vmem>>)
        %add3A_327 = arith.constant 2 : i32
        %add3A_328 = arith.addi %add3A_291, %add3A_327 : i32
        %dma_start3A_329 = arith.constant 0 : i32
        %dma_start3A_330 = arith.constant 0 : i32
        %dma_start3A_331 = tpu.memref_slice %arg2[%dma_start3A_329, %dma_start3A_330] : memref<10240x128xf32, #tpu.memory_space<hbm>> -> memref<10240x128xf32, #tpu.memory_space<hbm>>
        tpu.enqueue_indirect_dma source(%dma_start3A_331 : memref<10240x128xf32, #tpu.memory_space<hbm>>) target(%arg15 : memref<128x128xf32, #tpu.memory_space<vmem>>) offsets(%arg7 : memref<128xi32, #tpu.memory_space<vmem>>) semaphore(%arg22 : memref<!tpu.dma_semaphore, #tpu.memory_space<semaphore_mem>>)
      }
      %scan3A_107 = arith.constant 39 : i32
      %dma_wait3A_108 = arith.constant 0 : i32
      %dma_wait3A_109 = arith.constant 0 : i32
      %dma_wait3A_110 = tpu.memref_slice %arg2[%dma_wait3A_108, %dma_wait3A_109] : memref<10240x128xf32, #tpu.memory_space<hbm>> -> memref<10240x128xf32, #tpu.memory_space<hbm>>
      tpu.wait_indirect_dma semaphore(%arg21 : memref<!tpu.dma_semaphore, #tpu.memory_space<semaphore_mem>>) src(%dma_wait3A_110 : memref<10240x128xf32, #tpu.memory_space<hbm>>) dst(%arg14 : memref<128x128xf32, #tpu.memory_space<vmem>>)
      "tpu.region"() ({
        %run_scoped3A = tpu.sem_alloc : memref<!tpu.dma_semaphore, #tpu.memory_space<semaphore_mem>>
        %dma_start3A_159 = arith.constant 0 : i32
        %dma_start3A_160 = arith.constant 0 : i32
        %dma_start3A_161 = tpu.memref_slice %arg16[%dma_start3A_159, %dma_start3A_160] : memref<10240x128xf32, #tpu.memory_space<vmem_shared>> -> memref<10240x128xf32, #tpu.memory_space<vmem_shared>>
        tpu.enqueue_indirect_dma source(%arg14 : memref<128x128xf32, #tpu.memory_space<vmem>>) target(%dma_start3A_161 : memref<10240x128xf32, #tpu.memory_space<vmem_shared>>) offsets(%arg10 : memref<128xi32, #tpu.memory_space<vmem>>) semaphore(%run_scoped3A : memref<!tpu.dma_semaphore, #tpu.memory_space<semaphore_mem>>) {add = true}
        %dma_wait3A_162 = arith.constant 0 : i32
        %dma_wait3A_163 = arith.constant 0 : i32
        %dma_wait3A_164 = tpu.memref_slice %arg16[%dma_wait3A_162, %dma_wait3A_163] : memref<10240x128xf32, #tpu.memory_space<vmem_shared>> -> memref<10240x128xf32, #tpu.memory_space<vmem_shared>>
        tpu.wait_indirect_dma semaphore(%run_scoped3A : memref<!tpu.dma_semaphore, #tpu.memory_space<semaphore_mem>>) src(%arg14 : memref<128x128xf32, #tpu.memory_space<vmem>>) dst(%dma_wait3A_164 : memref<10240x128xf32, #tpu.memory_space<vmem_shared>>)
        tpu.yield
      }) : () -> ()
      %add3A_111 = arith.constant 158 : i32
      %add3A_112 = arith.addi %mul3A_2, %add3A_111 : i32
      %dma_wait3A_113 = arith.constant 0 : i32
      %dma_wait3A_114 = tpu.memref_slice %arg3[%add3A_112, %dma_wait3A_113] : memref<2560x128xi32, #tpu.memory_space<hbm>> -> memref<1x128xi32, #tpu.memory_space<hbm>>
      %dma_wait3A_115 = tpu.memref_squeeze %dma_wait3A_114 : memref<1x128xi32, #tpu.memory_space<hbm>> -> memref<128xi32, #tpu.memory_space<hbm>>
      %dma_wait3A_116 = arith.constant 0 : i32
      %dma_wait3A_117 = tpu.memref_slice %arg3[%add3A_112, %dma_wait3A_116] : memref<2560x128xi32, #tpu.memory_space<hbm>> -> memref<1x128xi32, #tpu.memory_space<hbm>>
      %dma_wait3A_118 = tpu.memref_squeeze %dma_wait3A_117 : memref<1x128xi32, #tpu.memory_space<hbm>> -> memref<128xi32, #tpu.memory_space<hbm>>
      tpu.wait_dma2 semaphore(%arg19 : memref<!tpu.dma_semaphore, #tpu.memory_space<semaphore_mem>>) src(%dma_wait3A_118 : memref<128xi32, #tpu.memory_space<hbm>>) dst(%arg8 : memref<128xi32, #tpu.memory_space<vmem>>)
      %add3A_119 = arith.constant 158 : i32
      %add3A_120 = arith.addi %mul3A_2, %add3A_119 : i32
      %dma_wait3A_121 = arith.constant 0 : i32
      %dma_wait3A_122 = tpu.memref_slice %arg4[%add3A_120, %dma_wait3A_121] : memref<2560x128xi32, #tpu.memory_space<hbm>> -> memref<1x128xi32, #tpu.memory_space<hbm>>
      %dma_wait3A_123 = tpu.memref_squeeze %dma_wait3A_122 : memref<1x128xi32, #tpu.memory_space<hbm>> -> memref<128xi32, #tpu.memory_space<hbm>>
      %dma_wait3A_124 = arith.constant 0 : i32
      %dma_wait3A_125 = tpu.memref_slice %arg4[%add3A_120, %dma_wait3A_124] : memref<2560x128xi32, #tpu.memory_space<hbm>> -> memref<1x128xi32, #tpu.memory_space<hbm>>
      %dma_wait3A_126 = tpu.memref_squeeze %dma_wait3A_125 : memref<1x128xi32, #tpu.memory_space<hbm>> -> memref<128xi32, #tpu.memory_space<hbm>>
      tpu.wait_dma2 semaphore(%arg19 : memref<!tpu.dma_semaphore, #tpu.memory_space<semaphore_mem>>) src(%dma_wait3A_126 : memref<128xi32, #tpu.memory_space<hbm>>) dst(%arg12 : memref<128xi32, #tpu.memory_space<vmem>>)
      %dma_start3A_127 = arith.constant 0 : i32
      %dma_start3A_128 = arith.constant 0 : i32
      %dma_start3A_129 = tpu.memref_slice %arg2[%dma_start3A_127, %dma_start3A_128] : memref<10240x128xf32, #tpu.memory_space<hbm>> -> memref<10240x128xf32, #tpu.memory_space<hbm>>
      tpu.enqueue_indirect_dma source(%dma_start3A_129 : memref<10240x128xf32, #tpu.memory_space<hbm>>) target(%arg14 : memref<128x128xf32, #tpu.memory_space<vmem>>) offsets(%arg8 : memref<128xi32, #tpu.memory_space<vmem>>) semaphore(%arg21 : memref<!tpu.dma_semaphore, #tpu.memory_space<semaphore_mem>>)
      %dma_wait3A_130 = arith.constant 0 : i32
      %dma_wait3A_131 = arith.constant 0 : i32
      %dma_wait3A_132 = tpu.memref_slice %arg2[%dma_wait3A_130, %dma_wait3A_131] : memref<10240x128xf32, #tpu.memory_space<hbm>> -> memref<10240x128xf32, #tpu.memory_space<hbm>>
      tpu.wait_indirect_dma semaphore(%arg22 : memref<!tpu.dma_semaphore, #tpu.memory_space<semaphore_mem>>) src(%dma_wait3A_132 : memref<10240x128xf32, #tpu.memory_space<hbm>>) dst(%arg15 : memref<128x128xf32, #tpu.memory_space<vmem>>)
      "tpu.region"() ({
        %run_scoped3A = tpu.sem_alloc : memref<!tpu.dma_semaphore, #tpu.memory_space<semaphore_mem>>
        %dma_start3A_159 = arith.constant 0 : i32
        %dma_start3A_160 = arith.constant 0 : i32
        %dma_start3A_161 = tpu.memref_slice %arg16[%dma_start3A_159, %dma_start3A_160] : memref<10240x128xf32, #tpu.memory_space<vmem_shared>> -> memref<10240x128xf32, #tpu.memory_space<vmem_shared>>
        tpu.enqueue_indirect_dma source(%arg15 : memref<128x128xf32, #tpu.memory_space<vmem>>) target(%dma_start3A_161 : memref<10240x128xf32, #tpu.memory_space<vmem_shared>>) offsets(%arg11 : memref<128xi32, #tpu.memory_space<vmem>>) semaphore(%run_scoped3A : memref<!tpu.dma_semaphore, #tpu.memory_space<semaphore_mem>>) {add = true}
        %dma_wait3A_162 = arith.constant 0 : i32
        %dma_wait3A_163 = arith.constant 0 : i32
        %dma_wait3A_164 = tpu.memref_slice %arg16[%dma_wait3A_162, %dma_wait3A_163] : memref<10240x128xf32, #tpu.memory_space<vmem_shared>> -> memref<10240x128xf32, #tpu.memory_space<vmem_shared>>
        tpu.wait_indirect_dma semaphore(%run_scoped3A : memref<!tpu.dma_semaphore, #tpu.memory_space<semaphore_mem>>) src(%arg15 : memref<128x128xf32, #tpu.memory_space<vmem>>) dst(%dma_wait3A_164 : memref<10240x128xf32, #tpu.memory_space<vmem_shared>>)
        tpu.yield
      }) : () -> ()
      %add3A_133 = arith.constant 159 : i32
      %add3A_134 = arith.addi %mul3A_2, %add3A_133 : i32
      %dma_wait3A_135 = arith.constant 0 : i32
      %dma_wait3A_136 = tpu.memref_slice %arg3[%add3A_134, %dma_wait3A_135] : memref<2560x128xi32, #tpu.memory_space<hbm>> -> memref<1x128xi32, #tpu.memory_space<hbm>>
      %dma_wait3A_137 = tpu.memref_squeeze %dma_wait3A_136 : memref<1x128xi32, #tpu.memory_space<hbm>> -> memref<128xi32, #tpu.memory_space<hbm>>
      %dma_wait3A_138 = arith.constant 0 : i32
      %dma_wait3A_139 = tpu.memref_slice %arg3[%add3A_134, %dma_wait3A_138] : memref<2560x128xi32, #tpu.memory_space<hbm>> -> memref<1x128xi32, #tpu.memory_space<hbm>>
      %dma_wait3A_140 = tpu.memref_squeeze %dma_wait3A_139 : memref<1x128xi32, #tpu.memory_space<hbm>> -> memref<128xi32, #tpu.memory_space<hbm>>
      tpu.wait_dma2 semaphore(%arg20 : memref<!tpu.dma_semaphore, #tpu.memory_space<semaphore_mem>>) src(%dma_wait3A_140 : memref<128xi32, #tpu.memory_space<hbm>>) dst(%arg9 : memref<128xi32, #tpu.memory_space<vmem>>)
      %add3A_141 = arith.constant 159 : i32
      %add3A_142 = arith.addi %mul3A_2, %add3A_141 : i32
      %dma_wait3A_143 = arith.constant 0 : i32
      %dma_wait3A_144 = tpu.memref_slice %arg4[%add3A_142, %dma_wait3A_143] : memref<2560x128xi32, #tpu.memory_space<hbm>> -> memref<1x128xi32, #tpu.memory_space<hbm>>
      %dma_wait3A_145 = tpu.memref_squeeze %dma_wait3A_144 : memref<1x128xi32, #tpu.memory_space<hbm>> -> memref<128xi32, #tpu.memory_space<hbm>>
      %dma_wait3A_146 = arith.constant 0 : i32
      %dma_wait3A_147 = tpu.memref_slice %arg4[%add3A_142, %dma_wait3A_146] : memref<2560x128xi32, #tpu.memory_space<hbm>> -> memref<1x128xi32, #tpu.memory_space<hbm>>
      %dma_wait3A_148 = tpu.memref_squeeze %dma_wait3A_147 : memref<1x128xi32, #tpu.memory_space<hbm>> -> memref<128xi32, #tpu.memory_space<hbm>>
      tpu.wait_dma2 semaphore(%arg20 : memref<!tpu.dma_semaphore, #tpu.memory_space<semaphore_mem>>) src(%dma_wait3A_148 : memref<128xi32, #tpu.memory_space<hbm>>) dst(%arg13 : memref<128xi32, #tpu.memory_space<vmem>>)
      %dma_start3A_149 = arith.constant 0 : i32
      %dma_start3A_150 = arith.constant 0 : i32
      %dma_start3A_151 = tpu.memref_slice %arg2[%dma_start3A_149, %dma_start3A_150] : memref<10240x128xf32, #tpu.memory_space<hbm>> -> memref<10240x128xf32, #tpu.memory_space<hbm>>
      tpu.enqueue_indirect_dma source(%dma_start3A_151 : memref<10240x128xf32, #tpu.memory_space<hbm>>) target(%arg15 : memref<128x128xf32, #tpu.memory_space<vmem>>) offsets(%arg9 : memref<128xi32, #tpu.memory_space<vmem>>) semaphore(%arg22 : memref<!tpu.dma_semaphore, #tpu.memory_space<semaphore_mem>>)
      %dma_wait3A_152 = arith.constant 0 : i32
      %dma_wait3A_153 = arith.constant 0 : i32
      %dma_wait3A_154 = tpu.memref_slice %arg2[%dma_wait3A_152, %dma_wait3A_153] : memref<10240x128xf32, #tpu.memory_space<hbm>> -> memref<10240x128xf32, #tpu.memory_space<hbm>>
      tpu.wait_indirect_dma semaphore(%arg21 : memref<!tpu.dma_semaphore, #tpu.memory_space<semaphore_mem>>) src(%dma_wait3A_154 : memref<10240x128xf32, #tpu.memory_space<hbm>>) dst(%arg14 : memref<128x128xf32, #tpu.memory_space<vmem>>)
      "tpu.region"() ({
        %run_scoped3A = tpu.sem_alloc : memref<!tpu.dma_semaphore, #tpu.memory_space<semaphore_mem>>
        %dma_start3A_159 = arith.constant 0 : i32
        %dma_start3A_160 = arith.constant 0 : i32
        %dma_start3A_161 = tpu.memref_slice %arg16[%dma_start3A_159, %dma_start3A_160] : memref<10240x128xf32, #tpu.memory_space<vmem_shared>> -> memref<10240x128xf32, #tpu.memory_space<vmem_shared>>
        tpu.enqueue_indirect_dma source(%arg14 : memref<128x128xf32, #tpu.memory_space<vmem>>) target(%dma_start3A_161 : memref<10240x128xf32, #tpu.memory_space<vmem_shared>>) offsets(%arg12 : memref<128xi32, #tpu.memory_space<vmem>>) semaphore(%run_scoped3A : memref<!tpu.dma_semaphore, #tpu.memory_space<semaphore_mem>>) {add = true}
        %dma_wait3A_162 = arith.constant 0 : i32
        %dma_wait3A_163 = arith.constant 0 : i32
        %dma_wait3A_164 = tpu.memref_slice %arg16[%dma_wait3A_162, %dma_wait3A_163] : memref<10240x128xf32, #tpu.memory_space<vmem_shared>> -> memref<10240x128xf32, #tpu.memory_space<vmem_shared>>
        tpu.wait_indirect_dma semaphore(%run_scoped3A : memref<!tpu.dma_semaphore, #tpu.memory_space<semaphore_mem>>) src(%arg14 : memref<128x128xf32, #tpu.memory_space<vmem>>) dst(%dma_wait3A_164 : memref<10240x128xf32, #tpu.memory_space<vmem_shared>>)
        tpu.yield
      }) : () -> ()
      %dma_wait3A_155 = arith.constant 0 : i32
      %dma_wait3A_156 = arith.constant 0 : i32
      %dma_wait3A_157 = tpu.memref_slice %arg2[%dma_wait3A_155, %dma_wait3A_156] : memref<10240x128xf32, #tpu.memory_space<hbm>> -> memref<10240x128xf32, #tpu.memory_space<hbm>>
      tpu.wait_indirect_dma semaphore(%arg22 : memref<!tpu.dma_semaphore, #tpu.memory_space<semaphore_mem>>) src(%dma_wait3A_157 : memref<10240x128xf32, #tpu.memory_space<hbm>>) dst(%arg15 : memref<128x128xf32, #tpu.memory_space<vmem>>)
      "tpu.region"() ({
        %run_scoped3A = tpu.sem_alloc : memref<!tpu.dma_semaphore, #tpu.memory_space<semaphore_mem>>
        %dma_start3A_159 = arith.constant 0 : i32
        %dma_start3A_160 = arith.constant 0 : i32
        %dma_start3A_161 = tpu.memref_slice %arg16[%dma_start3A_159, %dma_start3A_160] : memref<10240x128xf32, #tpu.memory_space<vmem_shared>> -> memref<10240x128xf32, #tpu.memory_space<vmem_shared>>
        tpu.enqueue_indirect_dma source(%arg15 : memref<128x128xf32, #tpu.memory_space<vmem>>) target(%dma_start3A_161 : memref<10240x128xf32, #tpu.memory_space<vmem_shared>>) offsets(%arg13 : memref<128xi32, #tpu.memory_space<vmem>>) semaphore(%run_scoped3A : memref<!tpu.dma_semaphore, #tpu.memory_space<semaphore_mem>>) {add = true}
        %dma_wait3A_162 = arith.constant 0 : i32
        %dma_wait3A_163 = arith.constant 0 : i32
        %dma_wait3A_164 = tpu.memref_slice %arg16[%dma_wait3A_162, %dma_wait3A_163] : memref<10240x128xf32, #tpu.memory_space<vmem_shared>> -> memref<10240x128xf32, #tpu.memory_space<vmem_shared>>
        tpu.wait_indirect_dma semaphore(%run_scoped3A : memref<!tpu.dma_semaphore, #tpu.memory_space<semaphore_mem>>) src(%arg15 : memref<128x128xf32, #tpu.memory_space<vmem>>) dst(%dma_wait3A_164 : memref<10240x128xf32, #tpu.memory_space<vmem_shared>>)
        tpu.yield
      }) : () -> ()
      %barrier3A_158 = arith.constant 0 : index
      tpu.barrier barrier_id(%barrier3A_158)
      "tpu.region"() ({
        %run_scoped3A = tpu.sem_alloc : memref<!tpu.dma_semaphore, #tpu.memory_space<semaphore_mem>>
        %dma_start3A_159 = arith.constant 0 : i32
        %dma_start3A_160 = tpu.memref_slice %arg5[%mul3A_0, %dma_start3A_159] : memref<10240x128xf32, #tpu.memory_space<hbm>> -> memref<640x128xf32, #tpu.memory_space<hbm>>
        %dma_start3A_161 = arith.constant 0 : i32
        %dma_start3A_162 = tpu.memref_slice %arg16[%mul3A_0, %dma_start3A_161] : memref<10240x128xf32, #tpu.memory_space<vmem_shared>> -> memref<640x128xf32, #tpu.memory_space<vmem_shared>>
        tpu.enqueue_dma source(%dma_start3A_162 : memref<640x128xf32, #tpu.memory_space<vmem_shared>>) target(%dma_start3A_160 : memref<640x128xf32, #tpu.memory_space<hbm>>) target_semaphore(%run_scoped3A : memref<!tpu.dma_semaphore, #tpu.memory_space<semaphore_mem>>)
        %dma_wait3A_163 = arith.constant 0 : i32
        %dma_wait3A_164 = tpu.memref_slice %arg5[%mul3A_0, %dma_wait3A_163] : memref<10240x128xf32, #tpu.memory_space<hbm>> -> memref<640x128xf32, #tpu.memory_space<hbm>>
        %dma_wait3A_165 = arith.constant 0 : i32
        %dma_wait3A_166 = tpu.memref_slice %arg16[%mul3A_0, %dma_wait3A_165] : memref<10240x128xf32, #tpu.memory_space<vmem_shared>> -> memref<640x128xf32, #tpu.memory_space<vmem_shared>>
        tpu.wait_dma2 semaphore(%run_scoped3A : memref<!tpu.dma_semaphore, #tpu.memory_space<semaphore_mem>>) src(%dma_wait3A_166 : memref<640x128xf32, #tpu.memory_space<vmem_shared>>) dst(%dma_wait3A_164 : memref<640x128xf32, #tpu.memory_space<hbm>>)
        tpu.yield
      }) : () -> ()
    } else {
    }
    return
  }
}

#map = affine_map<(d0, d1) -> (0, 0)>
#map1 = affine_map<(d0, d1) -> (0)>
module attributes {stable_mosaic.version = 14 : i64} {
  func.func @deg_kernel(%arg0: i32, %arg1: i32, %arg2: memref<2560x128xi32, #tpu.memory_space<hbm>>, %arg3: memref<10240xf32, #tpu.memory_space<hbm>>, %arg4: memref<128xf32, #tpu.memory_space<hbm>>, %arg5: memref<20480xf32, #tpu.memory_space<hbm>>, %arg6: memref<80x128xi32, #tpu.memory_space<vmem>>, %arg7: memref<128xf32, #tpu.memory_space<vmem>>, %arg8: memref<10240xf32, #tpu.memory_space<vmem_shared>>) attributes {dimension_semantics = [#tpu.dimension_semantics<core_parallel>, #tpu.dimension_semantics<subcore_parallel>], iteration_bounds = array<i64: 2, 16>, scalar_prefetch = 0 : i64, scratch_operands = 3 : i64, tpu.core_type = #tpu.core_type<sc_vector_subcore>, window_params = [{transform_indices = #map}, {transform_indices = #map1}, {transform_indices = #map1}, {transform_indices = #map1}]} {
    %mul3A = arith.constant 16 : i32
    %mul3A_0 = arith.muli %arg0, %mul3A : i32
    %add3A = arith.addi %mul3A_0, %arg1 : i32
    %mul3A_1 = arith.constant 640 : i32
    %mul3A_2 = arith.muli %arg1, %mul3A_1 : i32
    "tpu.region"() ({
      %run_scoped3A = tpu.sem_alloc : memref<!tpu.dma_semaphore, #tpu.memory_space<semaphore_mem>>
      %dma_start3A = tpu.memref_slice %arg8[%mul3A_2] : memref<10240xf32, #tpu.memory_space<vmem_shared>> -> memref<640xf32, #tpu.memory_space<vmem_shared>>
      %dma_start3A_13 = tpu.memref_slice %arg3[%mul3A_2] : memref<10240xf32, #tpu.memory_space<hbm>> -> memref<640xf32, #tpu.memory_space<hbm>>
      tpu.enqueue_dma source(%dma_start3A_13 : memref<640xf32, #tpu.memory_space<hbm>>) target(%dma_start3A : memref<640xf32, #tpu.memory_space<vmem_shared>>) target_semaphore(%run_scoped3A : memref<!tpu.dma_semaphore, #tpu.memory_space<semaphore_mem>>)
      %dma_wait3A = tpu.memref_slice %arg8[%mul3A_2] : memref<10240xf32, #tpu.memory_space<vmem_shared>> -> memref<640xf32, #tpu.memory_space<vmem_shared>>
      %dma_wait3A_14 = tpu.memref_slice %arg3[%mul3A_2] : memref<10240xf32, #tpu.memory_space<hbm>> -> memref<640xf32, #tpu.memory_space<hbm>>
      tpu.wait_dma2 semaphore(%run_scoped3A : memref<!tpu.dma_semaphore, #tpu.memory_space<semaphore_mem>>) src(%dma_wait3A_14 : memref<640xf32, #tpu.memory_space<hbm>>) dst(%dma_wait3A : memref<640xf32, #tpu.memory_space<vmem_shared>>)
      tpu.yield
    }) : () -> ()
    "tpu.region"() ({
      %run_scoped3A = tpu.sem_alloc : memref<!tpu.dma_semaphore, #tpu.memory_space<semaphore_mem>>
      tpu.enqueue_dma source(%arg4 : memref<128xf32, #tpu.memory_space<hbm>>) target(%arg7 : memref<128xf32, #tpu.memory_space<vmem>>) target_semaphore(%run_scoped3A : memref<!tpu.dma_semaphore, #tpu.memory_space<semaphore_mem>>)
      tpu.wait_dma2 semaphore(%run_scoped3A : memref<!tpu.dma_semaphore, #tpu.memory_space<semaphore_mem>>) src(%arg4 : memref<128xf32, #tpu.memory_space<hbm>>) dst(%arg7 : memref<128xf32, #tpu.memory_space<vmem>>)
      tpu.yield
    }) : () -> ()
    %mul3A_3 = arith.constant 80 : i32
    %mul3A_4 = arith.muli %add3A, %mul3A_3 : i32
    "tpu.region"() ({
      %run_scoped3A = tpu.sem_alloc : memref<!tpu.dma_semaphore, #tpu.memory_space<semaphore_mem>>
      %dma_start3A = arith.constant 0 : i32
      %dma_start3A_13 = tpu.memref_slice %arg2[%mul3A_4, %dma_start3A] : memref<2560x128xi32, #tpu.memory_space<hbm>> -> memref<80x128xi32, #tpu.memory_space<hbm>>
      %dma_start3A_14 = arith.constant 0 : i32
      %dma_start3A_15 = tpu.memref_slice %arg2[%mul3A_4, %dma_start3A_14] : memref<2560x128xi32, #tpu.memory_space<hbm>> -> memref<80x128xi32, #tpu.memory_space<hbm>>
      tpu.enqueue_dma source(%dma_start3A_15 : memref<80x128xi32, #tpu.memory_space<hbm>>) target(%arg6 : memref<80x128xi32, #tpu.memory_space<vmem>>) target_semaphore(%run_scoped3A : memref<!tpu.dma_semaphore, #tpu.memory_space<semaphore_mem>>)
      %dma_wait3A = arith.constant 0 : i32
      %dma_wait3A_16 = tpu.memref_slice %arg2[%mul3A_4, %dma_wait3A] : memref<2560x128xi32, #tpu.memory_space<hbm>> -> memref<80x128xi32, #tpu.memory_space<hbm>>
      %dma_wait3A_17 = arith.constant 0 : i32
      %dma_wait3A_18 = tpu.memref_slice %arg2[%mul3A_4, %dma_wait3A_17] : memref<2560x128xi32, #tpu.memory_space<hbm>> -> memref<80x128xi32, #tpu.memory_space<hbm>>
      tpu.wait_dma2 semaphore(%run_scoped3A : memref<!tpu.dma_semaphore, #tpu.memory_space<semaphore_mem>>) src(%dma_wait3A_18 : memref<80x128xi32, #tpu.memory_space<hbm>>) dst(%arg6 : memref<80x128xi32, #tpu.memory_space<vmem>>)
      tpu.yield
    }) : () -> ()
    %barrier3A = arith.constant 0 : index
    tpu.barrier barrier_id(%barrier3A)
    %scan3A = arith.constant 0 : i32
    %scan3A_5 = arith.constant 80 : i32
    %scan3A_6 = arith.addi %scan3A, %scan3A_5 : i32
    %scan3A_7 = arith.constant 1 : i32
    scf.for %scan3A_13 = %scan3A to %scan3A_6 step %scan3A_7  : i32 {
      %mul3A_14 = arith.constant 1 : i32
      %mul3A_15 = arith.muli %scan3A_13, %mul3A_14 : i32
      %add3A_16 = arith.constant 0 : i32
      %add3A_17 = arith.addi %add3A_16, %mul3A_15 : i32
      "tpu.region"() ({
        %run_scoped3A = tpu.sem_alloc : memref<!tpu.dma_semaphore, #tpu.memory_space<semaphore_mem>>
        %dma_start3A = arith.constant 0 : i32
        %dma_start3A_18 = tpu.memref_slice %arg6[%add3A_17, %dma_start3A] : memref<80x128xi32, #tpu.memory_space<vmem>> -> memref<1x128xi32, #tpu.memory_space<vmem>>
        %dma_start3A_19 = tpu.memref_squeeze %dma_start3A_18 : memref<1x128xi32, #tpu.memory_space<vmem>> -> memref<128xi32, #tpu.memory_space<vmem>>
        %dma_start3A_20 = arith.constant 0 : i32
        %dma_start3A_21 = tpu.memref_slice %arg8[%dma_start3A_20] : memref<10240xf32, #tpu.memory_space<vmem_shared>> -> memref<10240xf32, #tpu.memory_space<vmem_shared>>
        tpu.enqueue_indirect_dma source(%arg7 : memref<128xf32, #tpu.memory_space<vmem>>) target(%dma_start3A_21 : memref<10240xf32, #tpu.memory_space<vmem_shared>>) offsets(%dma_start3A_19 : memref<128xi32, #tpu.memory_space<vmem>>) semaphore(%run_scoped3A : memref<!tpu.dma_semaphore, #tpu.memory_space<semaphore_mem>>) {add = true}
        %dma_wait3A = arith.constant 0 : i32
        %dma_wait3A_22 = tpu.memref_slice %arg6[%add3A_17, %dma_wait3A] : memref<80x128xi32, #tpu.memory_space<vmem>> -> memref<1x128xi32, #tpu.memory_space<vmem>>
        %dma_wait3A_23 = tpu.memref_squeeze %dma_wait3A_22 : memref<1x128xi32, #tpu.memory_space<vmem>> -> memref<128xi32, #tpu.memory_space<vmem>>
        %dma_wait3A_24 = arith.constant 0 : i32
        %dma_wait3A_25 = tpu.memref_slice %arg8[%dma_wait3A_24] : memref<10240xf32, #tpu.memory_space<vmem_shared>> -> memref<10240xf32, #tpu.memory_space<vmem_shared>>
        tpu.wait_indirect_dma semaphore(%run_scoped3A : memref<!tpu.dma_semaphore, #tpu.memory_space<semaphore_mem>>) src(%arg7 : memref<128xf32, #tpu.memory_space<vmem>>) dst(%dma_wait3A_25 : memref<10240xf32, #tpu.memory_space<vmem_shared>>)
        tpu.yield
      }) : () -> ()
    }
    %scan3A_8 = arith.constant 80 : i32
    %barrier3A_9 = arith.constant 0 : index
    tpu.barrier barrier_id(%barrier3A_9)
    %mul3A_10 = arith.constant 10240 : i32
    %mul3A_11 = arith.muli %arg0, %mul3A_10 : i32
    %add3A_12 = arith.addi %mul3A_11, %mul3A_2 : i32
    "tpu.region"() ({
      %run_scoped3A = tpu.sem_alloc : memref<!tpu.dma_semaphore, #tpu.memory_space<semaphore_mem>>
      %dma_start3A = tpu.memref_slice %arg5[%add3A_12] : memref<20480xf32, #tpu.memory_space<hbm>> -> memref<640xf32, #tpu.memory_space<hbm>>
      %dma_start3A_13 = tpu.memref_slice %arg8[%mul3A_2] : memref<10240xf32, #tpu.memory_space<vmem_shared>> -> memref<640xf32, #tpu.memory_space<vmem_shared>>
      tpu.enqueue_dma source(%dma_start3A_13 : memref<640xf32, #tpu.memory_space<vmem_shared>>) target(%dma_start3A : memref<640xf32, #tpu.memory_space<hbm>>) target_semaphore(%run_scoped3A : memref<!tpu.dma_semaphore, #tpu.memory_space<semaphore_mem>>)
      %dma_wait3A = tpu.memref_slice %arg5[%add3A_12] : memref<20480xf32, #tpu.memory_space<hbm>> -> memref<640xf32, #tpu.memory_space<hbm>>
      %dma_wait3A_14 = tpu.memref_slice %arg8[%mul3A_2] : memref<10240xf32, #tpu.memory_space<vmem_shared>> -> memref<640xf32, #tpu.memory_space<vmem_shared>>
      tpu.wait_dma2 semaphore(%run_scoped3A : memref<!tpu.dma_semaphore, #tpu.memory_space<semaphore_mem>>) src(%dma_wait3A_14 : memref<640xf32, #tpu.memory_space<vmem_shared>>) dst(%dma_wait3A : memref<640xf32, #tpu.memory_space<hbm>>)
      tpu.yield
    }) : () -> ()
    return
  }
}

module attributes {stable_mosaic.version = 14 : i64} {
  func.func @body(%arg0: i32, %arg1: memref<1024x128xf32, #tpu.memory_space<vmem>>, %arg2: memref<128x128xf32, #tpu.memory_space<vmem>>, %arg3: memref<8x128xf32, #tpu.memory_space<vmem>>, %arg4: memref<8x128xf32, #tpu.memory_space<vmem>>, %arg5: memref<1024x128xf32, #tpu.memory_space<vmem>>) attributes {dimension_semantics = [#tpu.dimension_semantics<arbitrary>], iteration_bounds = array<i64: 10>, scalar_prefetch = 0 : i64, scratch_operands = 0 : i64, tpu.core_type = #tpu.core_type<tc>, window_params = [{transform_indices = @transform_0, window_bounds = array<i64: 1024, 128>}, {pipeline_mode = #tpu.pipeline_mode<synchronous>, transform_indices = @transform_1, window_bounds = array<i64: 128, 128>}, {transform_indices = @transform_2, window_bounds = array<i64: 8, 128>}, {transform_indices = @transform_3, window_bounds = array<i64: 8, 128>}, {transform_indices = @transform_4, window_bounds = array<i64: 1024, 128>}]} {
    %get3A = arith.constant 0 : index
    %get3A_0 = arith.constant 0 : index
    %get3A_1 = vector.load %arg3[%get3A, %get3A_0] : memref<8x128xf32, #tpu.memory_space<vmem>>, vector<8x128xf32>
    %get3A_2 = arith.constant 0 : index
    %get3A_3 = arith.constant 0 : index
    %get3A_4 = vector.load %arg4[%get3A_2, %get3A_3] : memref<8x128xf32, #tpu.memory_space<vmem>>, vector<8x128xf32>
    %add3A = arith.addf %get3A_1, %get3A_4 : vector<8x128xf32>
    %add3A_5 = arith.constant 1.000000e+00 : f32
    %add3A_6 = vector.broadcast %add3A_5 : f32 to vector<8x128xf32>
    %add3A_7 = arith.addf %add3A, %add3A_6 : vector<8x128xf32>
    %iota3A = tpu.iota {dimensions = array<i32: 0>} : vector<1024x8xi32>
    %jit3A = arith.constant 128 : i32
    %div3A = vector.broadcast %jit3A : i32 to vector<1024x8xi32>
    %div3A_8 = arith.divsi %iota3A, %div3A : vector<1024x8xi32>
    %sign3A = arith.constant 0 : i32
    %sign3A_9 = vector.broadcast %sign3A : i32 to vector<1024x8xi32>
    %sign3A_10 = arith.cmpi sgt, %iota3A, %sign3A_9 : vector<1024x8xi32>
    %sign3A_11 = arith.extui %sign3A_10 : vector<1024x8xi1> to vector<1024x8xi32>
    %sign3A_12 = arith.constant 0 : i32
    %sign3A_13 = vector.broadcast %sign3A_12 : i32 to vector<1024x8xi32>
    %sign3A_14 = arith.cmpi slt, %iota3A, %sign3A_13 : vector<1024x8xi32>
    %sign3A_15 = arith.extui %sign3A_14 : vector<1024x8xi1> to vector<1024x8xi32>
    %sign3A_16 = arith.subi %sign3A_11, %sign3A_15 : vector<1024x8xi32>
    %sign3A_17 = arith.constant 0 : i32
    %sign3A_18 = arith.cmpi sgt, %jit3A, %sign3A_17 : i32
    %sign3A_19 = arith.extui %sign3A_18 : i1 to i32
    %sign3A_20 = arith.constant 0 : i32
    %sign3A_21 = arith.cmpi slt, %jit3A, %sign3A_20 : i32
    %sign3A_22 = arith.extui %sign3A_21 : i1 to i32
    %sign3A_23 = arith.subi %sign3A_19, %sign3A_22 : i32
    %ne3A = vector.broadcast %sign3A_23 : i32 to vector<1024x8xi32>
    %ne3A_24 = arith.cmpi ne, %sign3A_16, %ne3A : vector<1024x8xi32>
    %rem3A = vector.broadcast %jit3A : i32 to vector<1024x8xi32>
    %rem3A_25 = arith.remsi %iota3A, %rem3A : vector<1024x8xi32>
    %ne3A_26 = arith.constant 0 : i32
    %ne3A_27 = vector.broadcast %ne3A_26 : i32 to vector<1024x8xi32>
    %ne3A_28 = arith.cmpi ne, %rem3A_25, %ne3A_27 : vector<1024x8xi32>
    %and3A = arith.andi %ne3A_24, %ne3A_28 : vector<1024x8xi1>
    %sub3A = arith.constant 1 : i32
    %sub3A_29 = vector.broadcast %sub3A : i32 to vector<1024x8xi32>
    %sub3A_30 = arith.subi %div3A_8, %sub3A_29 : vector<1024x8xi32>
    %select_n3A = arith.select %and3A, %sub3A_30, %div3A_8 : vector<1024x8xi1>, vector<1024x8xi32>
    %iota3A_31 = tpu.iota {dimensions = array<i32: 1>} : vector<1024x8xi32>
    %eq3A = arith.cmpi eq, %select_n3A, %iota3A_31 : vector<1024x8xi32>
    %convert_element_type3A = arith.extui %eq3A : vector<1024x8xi1> to vector<1024x8xi32>
    %convert_element_type3A_32 = arith.sitofp %convert_element_type3A : vector<1024x8xi32> to vector<1024x8xf32>
    %dot_general3A = arith.constant dense<0.000000e+00> : vector<1024x128xf32>
    %dot_general3A_33 = tpu.matmul %convert_element_type3A_32, %add3A_7, %dot_general3A {dimension_numbers = #tpu.dot_dimension_numbers<[1], [0], [0], [1], [0, 0, 1, 1], [], []>, transpose_lhs_hint = false} : vector<1024x8xf32>, vector<8x128xf32>, vector<1024x128xf32> -> vector<1024x128xf32>
    %iota3A_34 = tpu.iota {dimensions = array<i32: 1>} : vector<1024x128xi32>
    %iota3A_35 = tpu.iota {dimensions = array<i32: 0>} : vector<1024x128xi32>
    %jit3A_36 = arith.constant 128 : i32
    %eq3A_37 = arith.constant 0 : i32
    %eq3A_38 = arith.cmpi eq, %jit3A_36, %eq3A_37 : i32
    %jit3A_39 = arith.constant 1 : i32
    %select_n3A_40 = arith.select %eq3A_38, %jit3A_39, %jit3A_36 : i32
    %rem3A_41 = vector.broadcast %select_n3A_40 : i32 to vector<1024x128xi32>
    %rem3A_42 = arith.remsi %iota3A_35, %rem3A_41 : vector<1024x128xi32>
    %ne3A_43 = arith.constant 0 : i32
    %ne3A_44 = vector.broadcast %ne3A_43 : i32 to vector<1024x128xi32>
    %ne3A_45 = arith.cmpi ne, %rem3A_42, %ne3A_44 : vector<1024x128xi32>
    %lt3A = arith.constant 0 : i32
    %lt3A_46 = vector.broadcast %lt3A : i32 to vector<1024x128xi32>
    %lt3A_47 = arith.cmpi slt, %rem3A_42, %lt3A_46 : vector<1024x128xi32>
    %lt3A_48 = arith.constant 0 : i32
    %lt3A_49 = arith.cmpi slt, %select_n3A_40, %lt3A_48 : i32
    %ne3A_50 = vector.broadcast %lt3A_49 : i1 to vector<1024x128xi1>
    %ne3A_51 = vector.broadcast %ne3A_50 : vector<1024x128xi1> to vector<1024x128xi1>
    %ne3A_52 = arith.xori %lt3A_47, %ne3A_51 : vector<1024x128xi1>
    %and3A_53 = arith.andi %ne3A_52, %ne3A_45 : vector<1024x128xi1>
    %add3A_54 = vector.broadcast %select_n3A_40 : i32 to vector<1024x128xi32>
    %add3A_55 = arith.addi %rem3A_42, %add3A_54 : vector<1024x128xi32>
    %select_n3A_56 = arith.select %and3A_53, %add3A_55, %rem3A_42 : vector<1024x128xi1>, vector<1024x128xi32>
    %eq3A_57 = arith.cmpi eq, %iota3A_34, %select_n3A_56 : vector<1024x128xi32>
    %jit3A_58 = arith.constant 0.000000e+00 : f32
    %broadcast_in_dim3A = vector.broadcast %jit3A_58 : f32 to vector<1024x128xf32>
    %select_n3A_59 = arith.select %eq3A_57, %dot_general3A_33, %broadcast_in_dim3A : vector<1024x128xi1>, vector<1024x128xf32>
    %reduce_sum3A = arith.constant dense<0.000000e+00> : vector<1024xf32>
    %reduce_sum3A_60 = vector.multi_reduction <add>, %select_n3A_59, %reduce_sum3A [1] : vector<1024x128xf32> to vector<1024xf32>
    %broadcast_in_dim3A_61 = vector.shape_cast %reduce_sum3A_60 : vector<1024xf32> to vector<1024x1xf32>
    %max3A = arith.constant 1.000000e+00 : f32
    %max3A_62 = vector.broadcast %max3A : f32 to vector<1024x1xf32>
    %max3A_63 = arith.maximumf %broadcast_in_dim3A_61, %max3A_62 : vector<1024x1xf32>
    %rsqrt3A = math.rsqrt %max3A_63 : vector<1024x1xf32>
    %get3A_64 = arith.constant 0 : index
    %get3A_65 = arith.constant 0 : index
    %get3A_66 = vector.load %arg1[%get3A_64, %get3A_65] : memref<1024x128xf32, #tpu.memory_space<vmem>>, vector<1024x128xf32>
    %get3A_67 = arith.constant 0 : index
    %get3A_68 = arith.constant 0 : index
    %get3A_69 = vector.load %arg2[%get3A_67, %get3A_68] : memref<128x128xf32, #tpu.memory_space<vmem>>, vector<128x128xf32>
    %dot_general3A_70 = arith.constant dense<0.000000e+00> : vector<1024x128xf32>
    %dot_general3A_71 = tpu.matmul %get3A_66, %get3A_69, %dot_general3A_70 {dimension_numbers = #tpu.dot_dimension_numbers<[1], [0], [0], [1], [0, 0, 1, 1], [], []>, transpose_lhs_hint = false} : vector<1024x128xf32>, vector<128x128xf32>, vector<1024x128xf32> -> vector<1024x128xf32>
    %mul3A = vector.broadcast %rsqrt3A : vector<1024x1xf32> to vector<1024x128xf32>
    %mul3A_72 = arith.mulf %dot_general3A_71, %mul3A : vector<1024x128xf32>
    %swap3A = arith.constant 0 : index
    %swap3A_73 = arith.constant 0 : index
    %swap3A_74 = vector.load %arg5[%swap3A, %swap3A_73] : memref<1024x128xf32, #tpu.memory_space<vmem>>, vector<1024x128xf32>
    tpu.vector_store %arg5[%swap3A, %swap3A_73], %mul3A_72 {strides = array<i32>} : memref<1024x128xf32, #tpu.memory_space<vmem>>, vector<1024x128xf32>,
    return
  }
  func.func @transform_0(%arg0: i32) -> (i32, i32) {
    %c0_i32 = arith.constant 0 : i32
    %c0_i32_0 = arith.constant 0 : i32
    return %arg0, %c0_i32 : i32, i32
  }
  func.func @transform_1(%arg0: i32) -> (i32, i32) {
    %c0_i32 = arith.constant 0 : i32
    %c0_i32_0 = arith.constant 0 : i32
    %c0_i32_1 = arith.constant 0 : i32
    return %c0_i32, %c0_i32_0 : i32, i32
  }
  func.func @transform_2(%arg0: i32) -> (i32, i32) {
    %c0_i32 = arith.constant 0 : i32
    %c0_i32_0 = arith.constant 0 : i32
    return %arg0, %c0_i32 : i32, i32
  }
  func.func @transform_3(%arg0: i32) -> (i32, i32) {
    %c0_i32 = arith.constant 0 : i32
    %c0_i32_0 = arith.constant 0 : i32
    return %arg0, %c0_i32 : i32, i32
  }
  func.func @transform_4(%arg0: i32) -> (i32, i32) {
    %c0_i32 = arith.constant 0 : i32
    %c0_i32_0 = arith.constant 0 : i32
    return %arg0, %c0_i32 : i32, i32
  }
}

module attributes {stable_mosaic.version = 14 : i64} {
  func.func @body(%arg0: i32, %arg1: memref<1024x128xf32, #tpu.memory_space<vmem>>, %arg2: memref<8x128xf32, #tpu.memory_space<vmem>>, %arg3: memref<8x128xf32, #tpu.memory_space<vmem>>, %arg4: memref<1x128xf32, #tpu.memory_space<vmem>>, %arg5: memref<8x128xf32, #tpu.memory_space<vmem>>) attributes {dimension_semantics = [#tpu.dimension_semantics<arbitrary>], iteration_bounds = array<i64: 10>, scalar_prefetch = 0 : i64, scratch_operands = 0 : i64, tpu.core_type = #tpu.core_type<tc>, window_params = [{transform_indices = @transform_0, window_bounds = array<i64: 1024, 128>}, {transform_indices = @transform_1, window_bounds = array<i64: 8, 128>}, {transform_indices = @transform_2, window_bounds = array<i64: 8, 128>}, {pipeline_mode = #tpu.pipeline_mode<synchronous>, transform_indices = @transform_3, window_bounds = array<i64: 1, 128>}, {pipeline_mode = #tpu.pipeline_mode<synchronous>, transform_indices = @transform_4, window_bounds = array<i64: 8, 128>}]} {
    %get3A = arith.constant 0 : index
    %get3A_0 = arith.constant 0 : index
    %get3A_1 = vector.load %arg2[%get3A, %get3A_0] : memref<8x128xf32, #tpu.memory_space<vmem>>, vector<8x128xf32>
    %get3A_2 = arith.constant 0 : index
    %get3A_3 = arith.constant 0 : index
    %get3A_4 = vector.load %arg3[%get3A_2, %get3A_3] : memref<8x128xf32, #tpu.memory_space<vmem>>, vector<8x128xf32>
    %add3A = arith.addf %get3A_1, %get3A_4 : vector<8x128xf32>
    %add3A_5 = arith.constant 1.000000e+00 : f32
    %add3A_6 = vector.broadcast %add3A_5 : f32 to vector<8x128xf32>
    %add3A_7 = arith.addf %add3A, %add3A_6 : vector<8x128xf32>
    %iota3A = tpu.iota {dimensions = array<i32: 0>} : vector<1024x8xi32>
    %jit3A = arith.constant 128 : i32
    %div3A = vector.broadcast %jit3A : i32 to vector<1024x8xi32>
    %div3A_8 = arith.divsi %iota3A, %div3A : vector<1024x8xi32>
    %sign3A = arith.constant 0 : i32
    %sign3A_9 = vector.broadcast %sign3A : i32 to vector<1024x8xi32>
    %sign3A_10 = arith.cmpi sgt, %iota3A, %sign3A_9 : vector<1024x8xi32>
    %sign3A_11 = arith.extui %sign3A_10 : vector<1024x8xi1> to vector<1024x8xi32>
    %sign3A_12 = arith.constant 0 : i32
    %sign3A_13 = vector.broadcast %sign3A_12 : i32 to vector<1024x8xi32>
    %sign3A_14 = arith.cmpi slt, %iota3A, %sign3A_13 : vector<1024x8xi32>
    %sign3A_15 = arith.extui %sign3A_14 : vector<1024x8xi1> to vector<1024x8xi32>
    %sign3A_16 = arith.subi %sign3A_11, %sign3A_15 : vector<1024x8xi32>
    %sign3A_17 = arith.constant 0 : i32
    %sign3A_18 = arith.cmpi sgt, %jit3A, %sign3A_17 : i32
    %sign3A_19 = arith.extui %sign3A_18 : i1 to i32
    %sign3A_20 = arith.constant 0 : i32
    %sign3A_21 = arith.cmpi slt, %jit3A, %sign3A_20 : i32
    %sign3A_22 = arith.extui %sign3A_21 : i1 to i32
    %sign3A_23 = arith.subi %sign3A_19, %sign3A_22 : i32
    %ne3A = vector.broadcast %sign3A_23 : i32 to vector<1024x8xi32>
    %ne3A_24 = arith.cmpi ne, %sign3A_16, %ne3A : vector<1024x8xi32>
    %rem3A = vector.broadcast %jit3A : i32 to vector<1024x8xi32>
    %rem3A_25 = arith.remsi %iota3A, %rem3A : vector<1024x8xi32>
    %ne3A_26 = arith.constant 0 : i32
    %ne3A_27 = vector.broadcast %ne3A_26 : i32 to vector<1024x8xi32>
    %ne3A_28 = arith.cmpi ne, %rem3A_25, %ne3A_27 : vector<1024x8xi32>
    %and3A = arith.andi %ne3A_24, %ne3A_28 : vector<1024x8xi1>
    %sub3A = arith.constant 1 : i32
    %sub3A_29 = vector.broadcast %sub3A : i32 to vector<1024x8xi32>
    %sub3A_30 = arith.subi %div3A_8, %sub3A_29 : vector<1024x8xi32>
    %select_n3A = arith.select %and3A, %sub3A_30, %div3A_8 : vector<1024x8xi1>, vector<1024x8xi32>
    %iota3A_31 = tpu.iota {dimensions = array<i32: 1>} : vector<1024x8xi32>
    %eq3A = arith.cmpi eq, %select_n3A, %iota3A_31 : vector<1024x8xi32>
    %convert_element_type3A = arith.extui %eq3A : vector<1024x8xi1> to vector<1024x8xi32>
    %convert_element_type3A_32 = arith.sitofp %convert_element_type3A : vector<1024x8xi32> to vector<1024x8xf32>
    %dot_general3A = arith.constant dense<0.000000e+00> : vector<1024x128xf32>
    %dot_general3A_33 = tpu.matmul %convert_element_type3A_32, %add3A_7, %dot_general3A {dimension_numbers = #tpu.dot_dimension_numbers<[1], [0], [0], [1], [0, 0, 1, 1], [], []>, transpose_lhs_hint = false} : vector<1024x8xf32>, vector<8x128xf32>, vector<1024x128xf32> -> vector<1024x128xf32>
    %iota3A_34 = tpu.iota {dimensions = array<i32: 1>} : vector<1024x128xi32>
    %iota3A_35 = tpu.iota {dimensions = array<i32: 0>} : vector<1024x128xi32>
    %jit3A_36 = arith.constant 128 : i32
    %eq3A_37 = arith.constant 0 : i32
    %eq3A_38 = arith.cmpi eq, %jit3A_36, %eq3A_37 : i32
    %jit3A_39 = arith.constant 1 : i32
    %select_n3A_40 = arith.select %eq3A_38, %jit3A_39, %jit3A_36 : i32
    %rem3A_41 = vector.broadcast %select_n3A_40 : i32 to vector<1024x128xi32>
    %rem3A_42 = arith.remsi %iota3A_35, %rem3A_41 : vector<1024x128xi32>
    %ne3A_43 = arith.constant 0 : i32
    %ne3A_44 = vector.broadcast %ne3A_43 : i32 to vector<1024x128xi32>
    %ne3A_45 = arith.cmpi ne, %rem3A_42, %ne3A_44 : vector<1024x128xi32>
    %lt3A = arith.constant 0 : i32
    %lt3A_46 = vector.broadcast %lt3A : i32 to vector<1024x128xi32>
    %lt3A_47 = arith.cmpi slt, %rem3A_42, %lt3A_46 : vector<1024x128xi32>
    %lt3A_48 = arith.constant 0 : i32
    %lt3A_49 = arith.cmpi slt, %select_n3A_40, %lt3A_48 : i32
    %ne3A_50 = vector.broadcast %lt3A_49 : i1 to vector<1024x128xi1>
    %ne3A_51 = vector.broadcast %ne3A_50 : vector<1024x128xi1> to vector<1024x128xi1>
    %ne3A_52 = arith.xori %lt3A_47, %ne3A_51 : vector<1024x128xi1>
    %and3A_53 = arith.andi %ne3A_52, %ne3A_45 : vector<1024x128xi1>
    %add3A_54 = vector.broadcast %select_n3A_40 : i32 to vector<1024x128xi32>
    %add3A_55 = arith.addi %rem3A_42, %add3A_54 : vector<1024x128xi32>
    %select_n3A_56 = arith.select %and3A_53, %add3A_55, %rem3A_42 : vector<1024x128xi1>, vector<1024x128xi32>
    %eq3A_57 = arith.cmpi eq, %iota3A_34, %select_n3A_56 : vector<1024x128xi32>
    %jit3A_58 = arith.constant 0.000000e+00 : f32
    %broadcast_in_dim3A = vector.broadcast %jit3A_58 : f32 to vector<1024x128xf32>
    %select_n3A_59 = arith.select %eq3A_57, %dot_general3A_33, %broadcast_in_dim3A : vector<1024x128xi1>, vector<1024x128xf32>
    %reduce_sum3A = arith.constant dense<0.000000e+00> : vector<1024xf32>
    %reduce_sum3A_60 = vector.multi_reduction <add>, %select_n3A_59, %reduce_sum3A [1] : vector<1024x128xf32> to vector<1024xf32>
    %broadcast_in_dim3A_61 = vector.shape_cast %reduce_sum3A_60 : vector<1024xf32> to vector<1024x1xf32>
    %max3A = arith.constant 1.000000e+00 : f32
    %max3A_62 = vector.broadcast %max3A : f32 to vector<1024x1xf32>
    %max3A_63 = arith.maximumf %broadcast_in_dim3A_61, %max3A_62 : vector<1024x1xf32>
    %rsqrt3A = math.rsqrt %max3A_63 : vector<1024x1xf32>
    %get3A_64 = arith.constant 0 : index
    %get3A_65 = arith.constant 0 : index
    %get3A_66 = vector.load %arg1[%get3A_64, %get3A_65] : memref<1024x128xf32, #tpu.memory_space<vmem>>, vector<1024x128xf32>
    %mul3A = vector.broadcast %rsqrt3A : vector<1024x1xf32> to vector<1024x128xf32>
    %mul3A_67 = arith.mulf %get3A_66, %mul3A : vector<1024x128xf32>
    %get3A_68 = arith.constant 0 : index
    %get3A_69 = arith.constant 0 : index
    %get3A_70 = vector.load %arg4[%get3A_68, %get3A_69] : memref<1x128xf32, #tpu.memory_space<vmem>>, vector<1x128xf32>
    %add3A_71 = vector.broadcast %get3A_70 : vector<1x128xf32> to vector<1024x128xf32>
    %add3A_72 = arith.addf %mul3A_67, %add3A_71 : vector<1024x128xf32>
    %iota3A_73 = tpu.iota {dimensions = array<i32: 0>} : vector<1024x1xi32>
    %mul3A_74 = arith.constant 1024 : i32
    %mul3A_75 = arith.muli %arg0, %mul3A_74 : i32
    %add3A_76 = vector.broadcast %mul3A_75 : i32 to vector<1024x1xi32>
    %add3A_77 = arith.addi %iota3A_73, %add3A_76 : vector<1024x1xi32>
    %lt3A_78 = arith.constant 10000 : i32
    %lt3A_79 = vector.broadcast %lt3A_78 : i32 to vector<1024x1xi32>
    %lt3A_80 = arith.cmpi slt, %add3A_77, %lt3A_79 : vector<1024x1xi32>
    %jit3A_81 = arith.constant 0.000000e+00 : f32
    %broadcast_in_dim3A_82 = vector.shape_cast %lt3A_80 : vector<1024x1xi1> to vector<1024x1xi1>
    %broadcast_in_dim3A_83 = vector.broadcast %broadcast_in_dim3A_82 : vector<1024x1xi1> to vector<1024x128xi1>
    %broadcast_in_dim3A_84 = vector.broadcast %jit3A_81 : f32 to vector<1024x128xf32>
    %select_n3A_85 = arith.select %broadcast_in_dim3A_83, %add3A_72, %broadcast_in_dim3A_84 : vector<1024x128xi1>, vector<1024x128xf32>
    %eq3A_86 = arith.constant 0 : i32
    %eq3A_87 = arith.cmpi eq, %arg0, %eq3A_86 : i32
    %convert_element_type3A_88 = arith.extui %eq3A_87 : i1 to i32
    %cond3A = arith.constant 0 : i32
    %cond3A_89 = arith.cmpi ne, %convert_element_type3A_88, %cond3A : i32
    scf.if %cond3A_89 {
      %broadcast_in_dim3A_110 = arith.constant 0.000000e+00 : f32
      %broadcast_in_dim3A_111 = vector.broadcast %broadcast_in_dim3A_110 : f32 to vector<8x128xf32>
      %swap3A_112 = arith.constant 0 : index
      %swap3A_113 = arith.constant 0 : index
      %swap3A_114 = vector.load %arg5[%swap3A_112, %swap3A_113] : memref<8x128xf32, #tpu.memory_space<vmem>>, vector<8x128xf32>
      tpu.vector_store %arg5[%swap3A_112, %swap3A_113], %broadcast_in_dim3A_111 {strides = array<i32>} : memref<8x128xf32, #tpu.memory_space<vmem>>, vector<8x128xf32>,
    } else {
    }
    %get3A_90 = arith.constant 0 : index
    %get3A_91 = arith.constant 0 : index
    %get3A_92 = vector.load %arg5[%get3A_90, %get3A_91] : memref<8x128xf32, #tpu.memory_space<vmem>>, vector<1x128xf32>
    %reduce_sum3A_93 = arith.constant dense<0.000000e+00> : vector<128xf32>
    %reduce_sum3A_94 = vector.multi_reduction <add>, %select_n3A_85, %reduce_sum3A_93 [0] : vector<1024x128xf32> to vector<128xf32>
    %broadcast_in_dim3A_95 = vector.shape_cast %reduce_sum3A_94 : vector<128xf32> to vector<1x128xf32>
    %add3A_96 = arith.addf %get3A_92, %broadcast_in_dim3A_95 : vector<1x128xf32>
    %swap3A = arith.constant 0 : index
    %swap3A_97 = arith.constant 0 : index
    %swap3A_98 = vector.load %arg5[%swap3A, %swap3A_97] : memref<8x128xf32, #tpu.memory_space<vmem>>, vector<1x128xf32>
    tpu.vector_store %arg5[%swap3A, %swap3A_97], %add3A_96 {strides = array<i32>} : memref<8x128xf32, #tpu.memory_space<vmem>>, vector<1x128xf32>,
    %get3A_99 = arith.constant 1 : index
    %get3A_100 = arith.constant 0 : index
    %get3A_101 = vector.load %arg5[%get3A_99, %get3A_100] : memref<8x128xf32, #tpu.memory_space<vmem>>, vector<1x128xf32>
    %mul3A_102 = arith.mulf %select_n3A_85, %select_n3A_85 : vector<1024x128xf32>
    %reduce_sum3A_103 = arith.constant dense<0.000000e+00> : vector<128xf32>
    %reduce_sum3A_104 = vector.multi_reduction <add>, %mul3A_102, %reduce_sum3A_103 [0] : vector<1024x128xf32> to vector<128xf32>
    %broadcast_in_dim3A_105 = vector.shape_cast %reduce_sum3A_104 : vector<128xf32> to vector<1x128xf32>
    %add3A_106 = arith.addf %get3A_101, %broadcast_in_dim3A_105 : vector<1x128xf32>
    %swap3A_107 = arith.constant 1 : index
    %swap3A_108 = arith.constant 0 : index
    %swap3A_109 = vector.load %arg5[%swap3A_107, %swap3A_108] : memref<8x128xf32, #tpu.memory_space<vmem>>, vector<1x128xf32>
    tpu.vector_store %arg5[%swap3A_107, %swap3A_108], %add3A_106 {strides = array<i32>} : memref<8x128xf32, #tpu.memory_space<vmem>>, vector<1x128xf32>,
    return
  }
  func.func @transform_0(%arg0: i32) -> (i32, i32) {
    %c0_i32 = arith.constant 0 : i32
    %c0_i32_0 = arith.constant 0 : i32
    return %arg0, %c0_i32 : i32, i32
  }
  func.func @transform_1(%arg0: i32) -> (i32, i32) {
    %c0_i32 = arith.constant 0 : i32
    %c0_i32_0 = arith.constant 0 : i32
    return %arg0, %c0_i32 : i32, i32
  }
  func.func @transform_2(%arg0: i32) -> (i32, i32) {
    %c0_i32 = arith.constant 0 : i32
    %c0_i32_0 = arith.constant 0 : i32
    return %arg0, %c0_i32 : i32, i32
  }
  func.func @transform_3(%arg0: i32) -> (i32, i32) {
    %c0_i32 = arith.constant 0 : i32
    %c0_i32_0 = arith.constant 0 : i32
    %c0_i32_1 = arith.constant 0 : i32
    return %c0_i32, %c0_i32_0 : i32, i32
  }
  func.func @transform_4(%arg0: i32) -> (i32, i32) {
    %c0_i32 = arith.constant 0 : i32
    %c0_i32_0 = arith.constant 0 : i32
    %c0_i32_1 = arith.constant 0 : i32
    return %c0_i32, %c0_i32_0 : i32, i32
  }
}

module attributes {stable_mosaic.version = 14 : i64} {
  func.func @body(%arg0: i32, %arg1: memref<1024x128xf32, #tpu.memory_space<vmem>>, %arg2: memref<8x128xf32, #tpu.memory_space<vmem>>, %arg3: memref<8x128xf32, #tpu.memory_space<vmem>>, %arg4: memref<1x128xf32, #tpu.memory_space<vmem>>, %arg5: memref<1x128xf32, #tpu.memory_space<vmem>>, %arg6: memref<1x128xf32, #tpu.memory_space<vmem>>, %arg7: memref<8x128xf32, #tpu.memory_space<vmem>>, %arg8: memref<1024x128xf32, #tpu.memory_space<vmem>>) attributes {dimension_semantics = [#tpu.dimension_semantics<arbitrary>], iteration_bounds = array<i64: 10>, scalar_prefetch = 0 : i64, scratch_operands = 0 : i64, tpu.core_type = #tpu.core_type<tc>, window_params = [{transform_indices = @transform_0, window_bounds = array<i64: 1024, 128>}, {transform_indices = @transform_1, window_bounds = array<i64: 8, 128>}, {transform_indices = @transform_2, window_bounds = array<i64: 8, 128>}, {pipeline_mode = #tpu.pipeline_mode<synchronous>, transform_indices = @transform_3, window_bounds = array<i64: 1, 128>}, {pipeline_mode = #tpu.pipeline_mode<synchronous>, transform_indices = @transform_4, window_bounds = array<i64: 1, 128>}, {pipeline_mode = #tpu.pipeline_mode<synchronous>, transform_indices = @transform_5, window_bounds = array<i64: 1, 128>}, {pipeline_mode = #tpu.pipeline_mode<synchronous>, transform_indices = @transform_6, window_bounds = array<i64: 8, 128>}, {transform_indices = @transform_7, window_bounds = array<i64: 1024, 128>}]} {
    %get3A = arith.constant 0 : index
    %get3A_0 = arith.constant 0 : index
    %get3A_1 = vector.load %arg2[%get3A, %get3A_0] : memref<8x128xf32, #tpu.memory_space<vmem>>, vector<8x128xf32>
    %get3A_2 = arith.constant 0 : index
    %get3A_3 = arith.constant 0 : index
    %get3A_4 = vector.load %arg3[%get3A_2, %get3A_3] : memref<8x128xf32, #tpu.memory_space<vmem>>, vector<8x128xf32>
    %add3A = arith.addf %get3A_1, %get3A_4 : vector<8x128xf32>
    %add3A_5 = arith.constant 1.000000e+00 : f32
    %add3A_6 = vector.broadcast %add3A_5 : f32 to vector<8x128xf32>
    %add3A_7 = arith.addf %add3A, %add3A_6 : vector<8x128xf32>
    %iota3A = tpu.iota {dimensions = array<i32: 0>} : vector<1024x8xi32>
    %jit3A = arith.constant 128 : i32
    %div3A = vector.broadcast %jit3A : i32 to vector<1024x8xi32>
    %div3A_8 = arith.divsi %iota3A, %div3A : vector<1024x8xi32>
    %sign3A = arith.constant 0 : i32
    %sign3A_9 = vector.broadcast %sign3A : i32 to vector<1024x8xi32>
    %sign3A_10 = arith.cmpi sgt, %iota3A, %sign3A_9 : vector<1024x8xi32>
    %sign3A_11 = arith.extui %sign3A_10 : vector<1024x8xi1> to vector<1024x8xi32>
    %sign3A_12 = arith.constant 0 : i32
    %sign3A_13 = vector.broadcast %sign3A_12 : i32 to vector<1024x8xi32>
    %sign3A_14 = arith.cmpi slt, %iota3A, %sign3A_13 : vector<1024x8xi32>
    %sign3A_15 = arith.extui %sign3A_14 : vector<1024x8xi1> to vector<1024x8xi32>
    %sign3A_16 = arith.subi %sign3A_11, %sign3A_15 : vector<1024x8xi32>
    %sign3A_17 = arith.constant 0 : i32
    %sign3A_18 = arith.cmpi sgt, %jit3A, %sign3A_17 : i32
    %sign3A_19 = arith.extui %sign3A_18 : i1 to i32
    %sign3A_20 = arith.constant 0 : i32
    %sign3A_21 = arith.cmpi slt, %jit3A, %sign3A_20 : i32
    %sign3A_22 = arith.extui %sign3A_21 : i1 to i32
    %sign3A_23 = arith.subi %sign3A_19, %sign3A_22 : i32
    %ne3A = vector.broadcast %sign3A_23 : i32 to vector<1024x8xi32>
    %ne3A_24 = arith.cmpi ne, %sign3A_16, %ne3A : vector<1024x8xi32>
    %rem3A = vector.broadcast %jit3A : i32 to vector<1024x8xi32>
    %rem3A_25 = arith.remsi %iota3A, %rem3A : vector<1024x8xi32>
    %ne3A_26 = arith.constant 0 : i32
    %ne3A_27 = vector.broadcast %ne3A_26 : i32 to vector<1024x8xi32>
    %ne3A_28 = arith.cmpi ne, %rem3A_25, %ne3A_27 : vector<1024x8xi32>
    %and3A = arith.andi %ne3A_24, %ne3A_28 : vector<1024x8xi1>
    %sub3A = arith.constant 1 : i32
    %sub3A_29 = vector.broadcast %sub3A : i32 to vector<1024x8xi32>
    %sub3A_30 = arith.subi %div3A_8, %sub3A_29 : vector<1024x8xi32>
    %select_n3A = arith.select %and3A, %sub3A_30, %div3A_8 : vector<1024x8xi1>, vector<1024x8xi32>
    %iota3A_31 = tpu.iota {dimensions = array<i32: 1>} : vector<1024x8xi32>
    %eq3A = arith.cmpi eq, %select_n3A, %iota3A_31 : vector<1024x8xi32>
    %convert_element_type3A = arith.extui %eq3A : vector<1024x8xi1> to vector<1024x8xi32>
    %convert_element_type3A_32 = arith.sitofp %convert_element_type3A : vector<1024x8xi32> to vector<1024x8xf32>
    %dot_general3A = arith.constant dense<0.000000e+00> : vector<1024x128xf32>
    %dot_general3A_33 = tpu.matmul %convert_element_type3A_32, %add3A_7, %dot_general3A {dimension_numbers = #tpu.dot_dimension_numbers<[1], [0], [0], [1], [0, 0, 1, 1], [], []>, transpose_lhs_hint = false} : vector<1024x8xf32>, vector<8x128xf32>, vector<1024x128xf32> -> vector<1024x128xf32>
    %iota3A_34 = tpu.iota {dimensions = array<i32: 1>} : vector<1024x128xi32>
    %iota3A_35 = tpu.iota {dimensions = array<i32: 0>} : vector<1024x128xi32>
    %jit3A_36 = arith.constant 128 : i32
    %eq3A_37 = arith.constant 0 : i32
    %eq3A_38 = arith.cmpi eq, %jit3A_36, %eq3A_37 : i32
    %jit3A_39 = arith.constant 1 : i32
    %select_n3A_40 = arith.select %eq3A_38, %jit3A_39, %jit3A_36 : i32
    %rem3A_41 = vector.broadcast %select_n3A_40 : i32 to vector<1024x128xi32>
    %rem3A_42 = arith.remsi %iota3A_35, %rem3A_41 : vector<1024x128xi32>
    %ne3A_43 = arith.constant 0 : i32
    %ne3A_44 = vector.broadcast %ne3A_43 : i32 to vector<1024x128xi32>
    %ne3A_45 = arith.cmpi ne, %rem3A_42, %ne3A_44 : vector<1024x128xi32>
    %lt3A = arith.constant 0 : i32
    %lt3A_46 = vector.broadcast %lt3A : i32 to vector<1024x128xi32>
    %lt3A_47 = arith.cmpi slt, %rem3A_42, %lt3A_46 : vector<1024x128xi32>
    %lt3A_48 = arith.constant 0 : i32
    %lt3A_49 = arith.cmpi slt, %select_n3A_40, %lt3A_48 : i32
    %ne3A_50 = vector.broadcast %lt3A_49 : i1 to vector<1024x128xi1>
    %ne3A_51 = vector.broadcast %ne3A_50 : vector<1024x128xi1> to vector<1024x128xi1>
    %ne3A_52 = arith.xori %lt3A_47, %ne3A_51 : vector<1024x128xi1>
    %and3A_53 = arith.andi %ne3A_52, %ne3A_45 : vector<1024x128xi1>
    %add3A_54 = vector.broadcast %select_n3A_40 : i32 to vector<1024x128xi32>
    %add3A_55 = arith.addi %rem3A_42, %add3A_54 : vector<1024x128xi32>
    %select_n3A_56 = arith.select %and3A_53, %add3A_55, %rem3A_42 : vector<1024x128xi1>, vector<1024x128xi32>
    %eq3A_57 = arith.cmpi eq, %iota3A_34, %select_n3A_56 : vector<1024x128xi32>
    %jit3A_58 = arith.constant 0.000000e+00 : f32
    %broadcast_in_dim3A = vector.broadcast %jit3A_58 : f32 to vector<1024x128xf32>
    %select_n3A_59 = arith.select %eq3A_57, %dot_general3A_33, %broadcast_in_dim3A : vector<1024x128xi1>, vector<1024x128xf32>
    %reduce_sum3A = arith.constant dense<0.000000e+00> : vector<1024xf32>
    %reduce_sum3A_60 = vector.multi_reduction <add>, %select_n3A_59, %reduce_sum3A [1] : vector<1024x128xf32> to vector<1024xf32>
    %broadcast_in_dim3A_61 = vector.shape_cast %reduce_sum3A_60 : vector<1024xf32> to vector<1024x1xf32>
    %max3A = arith.constant 1.000000e+00 : f32
    %max3A_62 = vector.broadcast %max3A : f32 to vector<1024x1xf32>
    %max3A_63 = arith.maximumf %broadcast_in_dim3A_61, %max3A_62 : vector<1024x1xf32>
    %rsqrt3A = math.rsqrt %max3A_63 : vector<1024x1xf32>
    %get3A_64 = arith.constant 0 : index
    %get3A_65 = arith.constant 0 : index
    %get3A_66 = vector.load %arg1[%get3A_64, %get3A_65] : memref<1024x128xf32, #tpu.memory_space<vmem>>, vector<1024x128xf32>
    %mul3A = vector.broadcast %rsqrt3A : vector<1024x1xf32> to vector<1024x128xf32>
    %mul3A_67 = arith.mulf %get3A_66, %mul3A : vector<1024x128xf32>
    %get3A_68 = arith.constant 0 : index
    %get3A_69 = arith.constant 0 : index
    %get3A_70 = vector.load %arg4[%get3A_68, %get3A_69] : memref<1x128xf32, #tpu.memory_space<vmem>>, vector<1x128xf32>
    %add3A_71 = vector.broadcast %get3A_70 : vector<1x128xf32> to vector<1024x128xf32>
    %add3A_72 = arith.addf %mul3A_67, %add3A_71 : vector<1024x128xf32>
    %get3A_73 = arith.constant 0 : index
    %get3A_74 = arith.constant 0 : index
    %get3A_75 = vector.load %arg7[%get3A_73, %get3A_74] : memref<8x128xf32, #tpu.memory_space<vmem>>, vector<1x128xf32>
    %mul3A_76 = arith.constant 9.99999974E-5 : f32
    %mul3A_77 = vector.broadcast %mul3A_76 : f32 to vector<1x128xf32>
    %mul3A_78 = arith.mulf %get3A_75, %mul3A_77 : vector<1x128xf32>
    %get3A_79 = arith.constant 1 : index
    %get3A_80 = arith.constant 0 : index
    %get3A_81 = vector.load %arg7[%get3A_79, %get3A_80] : memref<8x128xf32, #tpu.memory_space<vmem>>, vector<1x128xf32>
    %mul3A_82 = arith.constant 9.99999974E-5 : f32
    %mul3A_83 = vector.broadcast %mul3A_82 : f32 to vector<1x128xf32>
    %mul3A_84 = arith.mulf %get3A_81, %mul3A_83 : vector<1x128xf32>
    %mul3A_85 = arith.mulf %mul3A_78, %mul3A_78 : vector<1x128xf32>
    %sub3A_86 = arith.subf %mul3A_84, %mul3A_85 : vector<1x128xf32>
    %sub3A_87 = vector.broadcast %mul3A_78 : vector<1x128xf32> to vector<1024x128xf32>
    %sub3A_88 = arith.subf %add3A_72, %sub3A_87 : vector<1024x128xf32>
    %add3A_89 = arith.constant 9.99999974E-6 : f32
    %add3A_90 = vector.broadcast %add3A_89 : f32 to vector<1x128xf32>
    %add3A_91 = arith.addf %sub3A_86, %add3A_90 : vector<1x128xf32>
    %rsqrt3A_92 = math.rsqrt %add3A_91 : vector<1x128xf32>
    %mul3A_93 = vector.broadcast %rsqrt3A_92 : vector<1x128xf32> to vector<1024x128xf32>
    %mul3A_94 = arith.mulf %sub3A_88, %mul3A_93 : vector<1024x128xf32>
    %get3A_95 = arith.constant 0 : index
    %get3A_96 = arith.constant 0 : index
    %get3A_97 = vector.load %arg5[%get3A_95, %get3A_96] : memref<1x128xf32, #tpu.memory_space<vmem>>, vector<1x128xf32>
    %mul3A_98 = vector.broadcast %get3A_97 : vector<1x128xf32> to vector<1024x128xf32>
    %mul3A_99 = arith.mulf %mul3A_98, %mul3A_94 : vector<1024x128xf32>
    %get3A_100 = arith.constant 0 : index
    %get3A_101 = arith.constant 0 : index
    %get3A_102 = vector.load %arg6[%get3A_100, %get3A_101] : memref<1x128xf32, #tpu.memory_space<vmem>>, vector<1x128xf32>
    %add3A_103 = vector.broadcast %get3A_102 : vector<1x128xf32> to vector<1024x128xf32>
    %add3A_104 = arith.addf %mul3A_99, %add3A_103 : vector<1024x128xf32>
    %max3A_105 = arith.constant 0.000000e+00 : f32
    %max3A_106 = vector.broadcast %max3A_105 : f32 to vector<1024x128xf32>
    %max3A_107 = arith.maximumf %add3A_104, %max3A_106 : vector<1024x128xf32>
    %swap3A = arith.constant 0 : index
    %swap3A_108 = arith.constant 0 : index
    %swap3A_109 = vector.load %arg8[%swap3A, %swap3A_108] : memref<1024x128xf32, #tpu.memory_space<vmem>>, vector<1024x128xf32>
    tpu.vector_store %arg8[%swap3A, %swap3A_108], %max3A_107 {strides = array<i32>} : memref<1024x128xf32, #tpu.memory_space<vmem>>, vector<1024x128xf32>,
    return
  }
  func.func @transform_0(%arg0: i32) -> (i32, i32) {
    %c0_i32 = arith.constant 0 : i32
    %c0_i32_0 = arith.constant 0 : i32
    return %arg0, %c0_i32 : i32, i32
  }
  func.func @transform_1(%arg0: i32) -> (i32, i32) {
    %c0_i32 = arith.constant 0 : i32
    %c0_i32_0 = arith.constant 0 : i32
    return %arg0, %c0_i32 : i32, i32
  }
  func.func @transform_2(%arg0: i32) -> (i32, i32) {
    %c0_i32 = arith.constant 0 : i32
    %c0_i32_0 = arith.constant 0 : i32
    return %arg0, %c0_i32 : i32, i32
  }
  func.func @transform_3(%arg0: i32) -> (i32, i32) {
    %c0_i32 = arith.constant 0 : i32
    %c0_i32_0 = arith.constant 0 : i32
    %c0_i32_1 = arith.constant 0 : i32
    return %c0_i32, %c0_i32_0 : i32, i32
  }
  func.func @transform_4(%arg0: i32) -> (i32, i32) {
    %c0_i32 = arith.constant 0 : i32
    %c0_i32_0 = arith.constant 0 : i32
    %c0_i32_1 = arith.constant 0 : i32
    return %c0_i32, %c0_i32_0 : i32, i32
  }
  func.func @transform_5(%arg0: i32) -> (i32, i32) {
    %c0_i32 = arith.constant 0 : i32
    %c0_i32_0 = arith.constant 0 : i32
    %c0_i32_1 = arith.constant 0 : i32
    return %c0_i32, %c0_i32_0 : i32, i32
  }
  func.func @transform_6(%arg0: i32) -> (i32, i32) {
    %c0_i32 = arith.constant 0 : i32
    %c0_i32_0 = arith.constant 0 : i32
    %c0_i32_1 = arith.constant 0 : i32
    return %c0_i32, %c0_i32_0 : i32, i32
  }
  func.func @transform_7(%arg0: i32) -> (i32, i32) {
    %c0_i32 = arith.constant 0 : i32
    %c0_i32_0 = arith.constant 0 : i32
    return %arg0, %c0_i32 : i32, i32
  }
}

</mosaic_0001>

<sc_bundles>
// kernel: kernel.10.cloned.1.call-start
scs
__scs_entry_jumppad:
0x0: {  	(pc) =	sbr.rel $0x88, $3  }
0x1: {  	(tag) =	ssettag $0x0;
	lr =	simm.s32 $0x1  }
0x2: {  	[smem:$0x3F9B] =	sst lr;
	_ =	strace $0xD0000000  }
0x3: {  	_ = 	snop  }
0x4: {  	_ = 	snop  }
0x5: {  	_ = 	snop  }
0x6: {  	_ = 	snop  }
0x7: {  	_ = 	snop  }
__scs_overlays_trampoline_lowered:
0x8: {  	[smem:$0x3FAA] =	sst s0  }
0x9: {  	[smem:$0x3FAB] =	sst s1  }
0xa: {  	[smem:$0x3FAC] =	sst s2  }
0xb: {  	[smem:$0x3FAD] =	sst s3  }
0xc: {  	[smem:$0x3FAE] =	sst s4  }
0xd: {  	[smem:$0x3FAF] =	sst s5  }
0xe: {  	[smem:$0x3FB0] =	sst s6  }
0xf: {  	[smem:$0x3FB1] =	sst s7  }
0x10: {  	[smem:$0x3FB2] =	sst s8  }
0x11: {  	[smem:$0x3FB3] =	sst s9;
	s0 =	simm.s32 @!p0 $0x0  }
0x12: {  	s1 =	sld [smem:$0x3F99];
	s0 =	simm.s32 @p0 $0x1  }
0x13: {  	[smem:$0x3FB4] =	sst s0;
	s0 =	simm.s32 @!p1 $0x0  }
0x14: {  	s2 =	sld [smem:$0x3F98];
	s0 =	simm.s32 @p1 $0x1  }
0x15: {  	[smem:$0x3FB5] =	sst s0;
	s0 =	simm.s32 @!p2 $0x0  }
0x16: {  	s3 =	sld [smem:$0x3FDB];
	s0 =	simm.s32 @p2 $0x1  }
0x17: {  	s4 =	simm.s32 $0x1BF5;
	[smem:$0x3FB7] =	sst s0  }
0x18: {  	s0 =	sld [smem:$0x3F9A];
	_ =	swait.ge [sflag:s4], $0x0  }
0x19: {  	s7 =	sld [smem:$0x3F9B]  }
0x1a: {  	s8 =	sadd.s32 $0xFFFFE003, lr  }
0x1b: {  	s9 =	sadd.s32 $0xFFFFFEF7, lr;
	s5 =	simm.s32 $0xFFFFFFFF;
	p2 =	slt.u32 s8, $0xFFFFF086  }
0x1c: {  	p1 =	slt.u32 s9, $0xF7A;
	s5 =	simm.s32 @!p2 $0x0  }
0x1d: {  	s5 =	simm.s32 @p1 $0x1;
	p0 =	seq.s32 s7, s2  }
0x1e: {  	s7 =	smul.u32 @!p0 $0xF7A, s2;
	p2 =	seq.s32 @!p0 s5, $0x0  }
0x1f: {  	s9 =	smul.u32 $0xF7A, s1;
	s8 =	simm.s32 @!p0 $0x1BF5;
	p2 =	por !p2, p0  }
0x20: {  	[sflag:s8] =	ssyncset.s32 @!p0 $0xFFFFF086;
	s6 =	sadd.s32 @!p0 s3, s7;
	s7 =	simm.s32 @!p0 $0x108  }
0x21: {  	s3 =	sadd.s32 s3, s9;
	s6 =	sadd.s32 @!p0 $0x88, s6;
	s7 =	simm.s32 @p2 $0x1082  }
0x22: {  	[simem:s7], [sflag:s8] =	dma.local @!p0 [hbm:s6], $0xF7A  }
0x23: {  	s9 =	sor.u32 $0xD0000000, s2;
	s6 =	simm.s32 $0x108;
	_ =	swait.ge @!p0 [sflag:s8], $0x0  }
0x24: {  	s3 =	sadd.s32 $0x88, s3;
	s6 =	simm.s32 @!p1 $0x1082;
	[sflag:s4] =	ssyncset.s32 $0xFFFFF086  }
0x25: {  	[simem:s6], [sflag:s4] =	dma.local [hbm:s3], $0xF7A  }
0x26: {  	[smem:$0x3F9B] =	sst s1;
	(tag) =	ssettag s2;
	_ =	strace s9  }
0x27: {  	s1 =	sld [smem:$0x3FAB]  }
0x28: {  	s2 =	sld [smem:$0x3FAC]  }
0x29: {  	s4 =	sld [smem:$0x3FAE]  }
0x2a: {  	p0 =	seq.s32 s5, $0x0;
	s5 =	sld [smem:$0x3FAF]  }
0x2b: {  	s6 =	sld [smem:$0x3FB0]  }
0x2c: {  	s7 =	sld [smem:$0x3FB1]  }
0x2d: {  	s3 =	simm.s32 $0x108;
	s8 =	sld [smem:$0x3FB2]  }
0x2e: {  	s3 =	simm.s32 @!p0 $0x1082;
	s9 =	sld [smem:$0x3FB3]  }
0x2f: {  	lr =	sadd.s32 s0, s3;
	s0 =	sld [smem:$0x3FAA]  }
0x30: {  	s3 =	sld [smem:$0x3FAD]  }
0x31: {  	[smem:$0x3FB6] =	sst s10  }
0x32: {  	s10 =	sld [smem:$0x3FB4];
	_ =	sdelay $0x3  }
0x33: {  	p0 =	seq.s32 s10, $0x1;
	s10 =	sld [smem:$0x3FB6];
	_ =	sdelay $0x3  }
0x34: {  	[smem:$0x3FB6] =	sst s10  }
0x35: {  	s10 =	sld [smem:$0x3FB5];
	_ =	sdelay $0x3  }
0x36: {  	p1 =	seq.s32 s10, $0x1;
	s10 =	sld [smem:$0x3FB6];
	_ =	sdelay $0x3  }
0x37: {  	[smem:$0x3FB6] =	sst s10  }
0x38: {  	s10 =	sld [smem:$0x3FB7]  }
0x39: {  	_ = 	snop;
	(pc) =	sbr.ind lr, $3  }
0x3a: {  	_ = 	snop  }
0x3b: {  	_ = 	snop  }
0x3c: {  	p2 =	seq.s32 s10, $0x1;
	s10 =	sld [smem:$0x3FB6]  }
0x3d: {  	_ =	shalt  }
0x3e: {  	_ =	shalt  }
0x3f: {  	_ =	shalt  }
0x40: {  	_ =	shalt  }
0x41: {  	_ =	shalt  }
0x42: {  	_ =	shalt  }
0x43: {  	_ =	shalt  }
0x44: {  	_ =	shalt  }
0x45: {  	_ =	shalt  }
0x46: {  	_ =	shalt  }
0x47: {  	_ =	shalt  }
0x48: {  	_ =	shalt  }
0x49: {  	_ =	shalt  }
0x4a: {  	_ =	shalt  }
0x4b: {  	_ =	shalt  }
0x4c: {  	_ =	shalt  }
0x4d: {  	_ =	shalt  }
0x4e: {  	_ =	shalt  }
0x4f: {  	_ =	shalt  }
0x50: {  	_ =	shalt  }
0x51: {  	_ =	shalt  }
0x52: {  	_ =	shalt  }
0x53: {  	_ =	shalt  }
0x54: {  	_ =	shalt  }
0x55: {  	_ =	shalt  }
0x56: {  	_ =	shalt  }
0x57: {  	_ =	shalt  }
0x58: {  	_ =	shalt  }
0x59: {  	_ =	shalt  }
0x5a: {  	_ =	shalt  }
0x5b: {  	_ =	shalt  }
0x5c: {  	_ =	shalt  }
0x5d: {  	_ =	shalt  }
0x5e: {  	_ =	shalt  }
0x5f: {  	_ =	shalt  }
0x60: {  	_ =	shalt  }
0x61: {  	_ =	shalt  }
0x62: {  	_ =	shalt  }
0x63: {  	_ =	shalt  }
0x64: {  	_ =	shalt  }
0x65: {  	_ =	shalt  }
0x66: {  	_ =	shalt  }
0x67: {  	_ =	shalt  }
0x68: {  	_ =	shalt  }
0x69: {  	_ =	shalt  }
0x6a: {  	_ =	shalt  }
0x6b: {  	_ =	shalt  }
0x6c: {  	_ =	shalt  }
0x6d: {  	_ =	shalt  }
0x6e: {  	_ =	shalt  }
0x6f: {  	_ =	shalt  }
0x70: {  	_ =	shalt  }
0x71: {  	_ =	shalt  }
0x72: {  	_ =	shalt  }
0x73: {  	_ =	shalt  }
0x74: {  	_ =	shalt  }
0x75: {  	_ =	shalt  }
0x76: {  	_ =	shalt  }
0x77: {  	_ =	shalt  }
0x78: {  	_ =	shalt  }
0x79: {  	_ =	shalt  }
0x7a: {  	_ =	shalt  }
0x7b: {  	_ =	shalt  }
0x7c: {  	_ =	shalt  }
0x7d: {  	_ =	shalt  }
0x7e: {  	_ =	shalt  }
0x7f: {  	_ =	shalt  }
0x80: {  	_ =	shalt  }
0x81: {  	_ =	shalt  }
0x82: {  	_ =	shalt  }
0x83: {  	_ =	shalt  }
0x84: {  	_ =	shalt  }
0x85: {  	_ =	shalt  }
0x86: {  	_ =	shalt  }
0x87: {  	_ =	shalt  }
.Lfunc_end0:
.L_simem_size_0:
called_computation.1_lowered:
.L_overlay_start_0:
0x88: {  	s2 =	sld [smem:$0x3FD9]  }
0x89: {  	s3 =	sld [smem:$0x3FFE];
	_ =	sdelay $0x1  }
0x8a: {  	s1 =	srdreg.scid  }
0x8b: {  	s0 =	sand.u32 $0x1, s1  }
0x8c: {  	s17 =	sshll.u32 s0, $0xA;
	s2 =	sadd.s32 s3, s2  }
0x8d: {  	s2 =	sadd.s32 s2, s17  }
0x8e: {  	[smem:$0x3FC2] =	sst s2  }
0x8f: {  	_ = 	snop  }
0x90: {  	s2 =	sld [smem:$0x3FD0];
	(tm) =	ssettm $0x1  }
0x91: {  	s18 =	sld [smem:$0x3FFB];
	_ =	sdelay $0x3  }
0x92: {  	_ =	strace s18  }
0x93: {  	s3 =	sld [smem:$0x3FFC];
	_ =	sdelay $0x3  }
0x94: {  	_ =	strace s3  }
0x95: {  	s3 =	sld [smem:$0x3FFD];
	_ =	sdelay $0x3  }
0x96: {  	_ =	strace s3  }
0x97: {  	_ =	strace $0x8FFFFFFF  }
0x98: {  	s19 =	sld [smem:$0x3FDB];
	_ =	sdelay $0x1  }
0x99: {  	s4 =	simm.s32 $_scs_section_size  }
0x9a: {  	s5 =	simm.s32 $_size__tile_overlayer_lowered;
	s6 =	simm.s32 $_tile_overlayer_lowered  }
0x9b: {  	s22 =	simm.s32 $0x1BFF;
	s21 =	sshll.u32 s6, $0x1;
	s3 =	sadd.s32 s4, s19  }
0x9c: {  	s7 =	simm.s32 $0x0;
	s20 =	sshll.u32 s5, $0x1;
	s5 =	sadd.s32 s21, s3  }
0x9d: {  	[timem:s7], [sflag:s22] =	dma.local [hbm:s5], s20  }
0x9e: {  	_ =	swait.ge [sflag:s22], s20  }
0x9f: {  	s4 =	ssub.s32 $0x0, s20;
	[sflag:s22] =	ssyncset.done $0x0  }
0xa0: {  	[sflag:s22] =	ssyncadd.s32 s4;
	_ =	sdelay $0x1  }
0xa1: {  	s23 =	simm.s32 $0x1B8B  }
0xa2: {  	_ =	swait.ge [sflag:s23], $0x1  }
0xa3: {  	[sflag:s23] =	ssyncset.done $0x0  }
0xa4: {  	s25 =	simm.s32 $0x1B8E;
	s24 =	sld [smem:$0x3FFE];
	[sflag:s23] =	ssyncadd.s32 $0xFFFFFFFF  }
0xa5: {  	s26 =	simm.s32 $execute0_lowered;
	[smem:$0x3FD2] =	sst s25  }
0xa6: {  	s5 =	sshll.u32 s26, $0x1;
	_ =	strace $0x80000049;
	[dreg:$0x1] =	wrdreg $0xFFFFFFFF  }
0xa7: {  	s28 =	simm.s32 $_size_execute0_lowered;
	s3 =	sadd.s32 s3, s5;
	[dreg:$0x0] =	wrdreg $0x0  }
0xa8: {  	s5 =	sshll.u32 s28, $0x1;
	[dreg:$0x2] =	wrdreg s3  }
0xa9: {  	[dreg:$0x3] =	wrdreg s5  }
0xaa: {  	[dreg:$0x4] =	wrdreg $0xC0  }
0xab: {  	_ =	task [dreg:s7], $0x5FFFF  }
0xac: {  	[dreg:$0x1] =	wrdreg $0xFFFFFFFF  }
0xad: {  	[dreg:$0x0] =	wrdreg $0x60  }
0xae: {  	[dreg:$0x2] =	wrdreg s24  }
0xaf: {  	[dreg:$0x3] =	wrdreg s2  }
0xb0: {  	[dreg:$0x4] =	wrdreg $0x84000  }
0xb1: {  	[dreg:$0x5] =	wrdreg $0x9  }
0xb2: {  	_ =	task.clear_ibuf [dreg:s7], $0x6FFFF;
	_ =	strace $0x90000049  }
0xb3: {  	s29 =	simm.s32 $0x9;
	_ =	strace $0x8000004B  }
0xb4: {  	_ =	swait.ge [sflag:s29], $0x1  }
0xb5: {  	[sflag:s29] =	ssyncadd.s32 $0xFFFFFFFF  }
0xb6: {  	_ =	strace $0x9000004B  }
0xb7: {  	_ =	sfence  }
0xb8: {  	s30 =	sld [smem:$0x0];
	_ =	sdelay $0x2  }
0xb9: {  	s31 =	sshll.u32 s1, $0xD;
	s1 =	sshrl.u32 s1, $0x2  }
0xba: {  	s3 =	sand.u32 $0x4000, s31;
	s1 =	sadd.s32 s1, s30  }
0xbb: {  	s0 =	sor.u32 s3, s0;
	s1 =	sshll.u32 s1, $0x11  }
0xbc: {  	s0 =	sor.u32 s1, s0  }
0xbd: {  	s0 =	sadd.s32 $0x8F2B, s0  }
0xbe: {  	[sflag:s0] =	ssyncadd.remote.s32 $0x1  }
0xbf: {  	_ =	sfence.sel $0xFFFF  }
0xc0: {  	[dreg:$0x0] =	wrdreg $0xFFFFFFFF;
	(pc) =	sbr.abs _section_cstart, $3  }
0xc1: {  	[dreg:$0x1] =	wrdreg $0xFFFFFFFF  }
0xc2: {  	_ =	task.clear_ibuf [dreg:s7], $0x2FFFF;
	_ =	strace $0x9FFFFFFF  }
0xc3: {  	(tm) =	ssettm $0x7FFFFFFF  }
tec
execute0_lowered:
.L_overlay_start_1:
0x0: {  	(tag) =	ssettag $0x1  }
0x1: {  	s1 =	srdreg.scid  }
0x2: {  	s1 =	sand.u32 $0x1, s1  }
0x3: {  	p0 =	seq.s32 s1, $0x1  }
.Ltmp0:
0x4: {  	s25 =	rddreg [dreg:$0x0];
	(pc) =	sbr.rel @p0 .LBB2_4-.Ltmp0, $4  }
0x5: {  	s6 =	rddreg [dreg:$0x1]  }
0x6: {  	s2 =	rddreg [dreg:$0x2];
	s7 =	simm.s32 $0x0  }
0x7: {  	[smem:$0x7FF] =	sst s7  }
0x8: {  	s0 =	rddreg [dreg:$0x3];
	_ =	strace $0x8000004A;
	s1 =	stileid.u32  }
0x9: {  	s3 =	smul.u32 $0x50000, s1;
	_ =	sdelay $0x1  }
0xa: {  	s26 =	sshll.u32 s1, $0x6;
	s3 =	sshrl.u32 s3, $0x2  }
0xb: {  	s28 =	smul.u32 $0x2800, s1;
	s0 =	sor.u32 $0x1C07, s26;
	s4 =	sadd.s32 s3, s2  }
0xc: {  	s5 =	sadd.s32 $0xB600, s25;
	[dreg:$0x4] =	wrdreg s0;
	s29 =	sshrl.u32 s4, $0x3  }
0xd: {  	s8 =	sadd.s32 s5, s28;
	[dreg:$0x5] =	wrdreg s29  }
0xe: {  	[spmem:s29], [sflag:s0] =	dma.local [hbm:s8], $0x2800  }
0xf: {  	s8 =	simm.s32 $0x7  }
0x10: {  	_ =	swait.ge [sflag:s8], $0x2800  }
0x11: {  	s9 =	smul.u32 $0xA00, s1;
	[sflag:s8] =	ssyncset.done $0x0  }
0x12: {  	[sflag:s8] =	ssyncadd.s32 $0xFFFFD800  }
0x13: {  	s10 =	sadd.s32 $0x1600, s25;
	s11 =	sadd.s32 s6, s9;
	[bflag:$0x0] =	sbarrier.arrive $0xFFFF  }
0x14: {  	[tilespmem:s7], [sflag:$0x1] =	stream.linear.gather [hbm4b:s11+s7], $0x80, $0x38;
	[tilespmem:$0x1C400] =	vst v63  }
0x15: {  	s13 =	sor.u32 $0x10, s9;
	s12 =	sadd.s32 s10, s9;
	s11 =	simm.s32 $0x200  }
0x16: {  	[tilespmem:s11], [sflag:$0x1] =	stream.linear.gather [hbm4b:s12+s7], $0x80, $0x38;
	[tilespmem:$0x1C400] =	vst v63  }
0x17: {  	s14 =	sadd.s32 s6, s13;
	s12 =	simm.s32 $0x80  }
0x18: {  	[tilespmem:s12], [sflag:$0x2] =	stream.linear.gather [hbm4b:s14+s7], $0x80, $0x38;
	[tilespmem:$0x1C400] =	vst v63  }
0x19: {  	s15 =	sor.u32 $0x20, s9;
	s30 =	sadd.s32 s10, s13;
	s13 =	simm.s32 $0x280  }
0x1a: {  	[tilespmem:s13], [sflag:$0x2] =	stream.linear.gather [hbm4b:s30+s7], $0x80, $0x38;
	[tilespmem:$0x1C400] =	vst v63  }
0x1b: {  	s16 =	sadd.s32 s6, s15;
	s14 =	simm.s32 $0x100  }
0x1c: {  	[tilespmem:s14], [sflag:$0x3] =	stream.linear.gather [hbm4b:s16+s7], $0x80, $0x38;
	[tilespmem:$0x1C400] =	vst v63  }
0x1d: {  	s17 =	sor.u32 $0x30, s9;
	s31 =	sadd.s32 s10, s15;
	s15 =	simm.s32 $0x300  }
0x1e: {  	[tilespmem:s15], [sflag:$0x3] =	stream.linear.gather [hbm4b:s31+s7], $0x80, $0x38;
	[tilespmem:$0x1C400] =	vst v63  }
0x1f: {  	s18 =	sadd.s32 s6, s17;
	s16 =	simm.s32 $0x180  }
0x20: {  	[tilespmem:s16], [sflag:$0x4] =	stream.linear.gather [hbm4b:s18+s7], $0x80, $0x38;
	[tilespmem:$0x1C400] =	vst v63  }
0x21: {  	s0 =	sadd.s32 s10, s17;
	s17 =	simm.s32 $0x380;
	s18 =	simm.s32 $0x1  }
0x22: {  	[tilespmem:s17], [sflag:$0x4] =	stream.linear.gather [hbm4b:s0+s7], $0x80, $0x38;
	[tilespmem:$0x1C400] =	vst v63  }
0x23: {  	_ =	swait.ge [sflag:s18], $0x80  }
0x24: {  	[sflag:s18] =	ssyncset.done $0x0  }
0x25: {  	[sflag:s18] =	ssyncadd.s32 $0xFFFFFF80  }
0x26: {  	_ =	swait.ge [sflag:s18], $0x80  }
0x27: {  	[sflag:s18] =	ssyncset.done $0x0  }
0x28: {  	s19 =	simm.s32 $0x400;
	s20 =	simm.s32 $0x2;
	[sflag:s18] =	ssyncadd.s32 $0xFFFFFF80  }
0x29: {  	[tilespmem:s19], [sflag:$0x5] =	stream.indirect.gather [hbm4b:s5+s12], $0x80, s7, s12, $0xb8;
	[tilespmem:$0x1C400] =	vst v63  }
0x2a: {  	_ =	swait.ge [sflag:s20], $0x80  }
0x2b: {  	[sflag:s20] =	ssyncset.done $0x0  }
0x2c: {  	[sflag:s20] =	ssyncadd.s32 $0xFFFFFF80  }
0x2d: {  	_ =	swait.ge [sflag:s20], $0x80  }
0x2e: {  	[sflag:s20] =	ssyncset.done $0x0  }
0x2f: {  	s21 =	simm.s32 $0x4400;
	s22 =	simm.s32 $0x5;
	[sflag:s20] =	ssyncadd.s32 $0xFFFFFF80  }
0x30: {  	[tilespmem:s21], [sflag:$0x6] =	stream.indirect.gather [hbm4b:s5+s12], $0x80, s12, s12, $0xb8;
	[tilespmem:$0x1C400] =	vst v63  }
0x31: {  	_ =	swait.ge [sflag:s22], $0x4000  }
0x32: {  	s29 =	sadd.s32 $0x70, s9;
	[sflag:s22] =	ssyncset.done $0x0  }
0x33: {  	s23 =	simm.s32 $0x40;
	s24 =	sadd.s32 $0xFFFFFFD0, s29;
	[sflag:s22] =	ssyncadd.s32 $0xFFFFC000  }
0x34: {  	[spmem:s2] =	stream.indirect.scatter.add.f32 [tilespmem:s19], [sflag:$0x7], $0x80, s11, s12, $0xb8;
	[tilespmem:$0x1C400] =	vst v63  }
0x35: {  	s23 =	sand.u32 $0x40, s23;
	s24 =	sand.u32 $0x1FF80, s24;
	_ =	swait.ge [sflag:s8], $0x4000  }
0x36: {  	s24 =	sor.u32 s23, s24;
	[sflag:s8] =	ssyncset.done $0x0  }
0x37: {  	s23 =	sadd.s32 s6, s24;
	[sflag:s8] =	ssyncadd.s32 $0xFFFFC000  }
0x38: {  	[tilespmem:s7], [sflag:$0x1] =	stream.linear.gather [hbm4b:s23+s7], $0x80, $0x38;
	[tilespmem:$0x1C400] =	vst v63  }
0x39: {  	s24 =	sadd.s32 s10, s24;
	s23 =	simm.s32 $0x3  }
0x3a: {  	[tilespmem:s11], [sflag:$0x1] =	stream.linear.gather [hbm4b:s24+s7], $0x80, $0x38;
	[tilespmem:$0x1C400] =	vst v63  }
0x3b: {  	_ =	swait.ge [sflag:s23], $0x80  }
0x3c: {  	[sflag:s23] =	ssyncset.done $0x0  }
0x3d: {  	[sflag:s23] =	ssyncadd.s32 $0xFFFFFF80  }
0x3e: {  	_ =	swait.ge [sflag:s23], $0x80  }
0x3f: {  	[sflag:s23] =	ssyncset.done $0x0  }
0x40: {  	s24 =	simm.s32 $0x6;
	[sflag:s23] =	ssyncadd.s32 $0xFFFFFF80  }
0x41: {  	[tilespmem:s19], [sflag:$0x5] =	stream.indirect.gather [hbm4b:s5+s12], $0x80, s14, s12, $0xb8;
	[tilespmem:$0x1C400] =	vst v63  }
0x42: {  	_ =	swait.ge [sflag:s24], $0x4000  }
0x43: {  	[sflag:s24] =	ssyncset.done $0x0  }
0x44: {  	s26 =	simm.s32 $0x50;
	s30 =	sadd.s32 $0xFFFFFFE0, s29;
	[sflag:s24] =	ssyncadd.s32 $0xFFFFC000  }
0x45: {  	[spmem:s2] =	stream.indirect.scatter.add.f32 [tilespmem:s21], [sflag:$0x7], $0x80, s13, s12, $0xb8;
	[tilespmem:$0x1C400] =	vst v63  }
0x46: {  	s26 =	sand.u32 $0x50, s26;
	s30 =	sand.u32 $0x1FF80, s30;
	_ =	swait.ge [sflag:s8], $0x4000  }
0x47: {  	s30 =	sor.u32 s26, s30;
	[sflag:s8] =	ssyncset.done $0x0  }
0x48: {  	s26 =	sadd.s32 s6, s30;
	[sflag:s8] =	ssyncadd.s32 $0xFFFFC000  }
0x49: {  	[tilespmem:s12], [sflag:$0x2] =	stream.linear.gather [hbm4b:s26+s7], $0x80, $0x38;
	[tilespmem:$0x1C400] =	vst v63  }
0x4a: {  	s30 =	sadd.s32 s10, s30;
	s26 =	simm.s32 $0x4  }
0x4b: {  	[tilespmem:s13], [sflag:$0x2] =	stream.linear.gather [hbm4b:s30+s7], $0x80, $0x38;
	[tilespmem:$0x1C400] =	vst v63  }
0x4c: {  	_ =	swait.ge [sflag:s26], $0x80  }
0x4d: {  	[sflag:s26] =	ssyncset.done $0x0  }
0x4e: {  	[sflag:s26] =	ssyncadd.s32 $0xFFFFFF80  }
0x4f: {  	_ =	swait.ge [sflag:s26], $0x80  }
0x50: {  	[sflag:s26] =	ssyncset.done $0x0  }
0x51: {  	[sflag:s26] =	ssyncadd.s32 $0xFFFFFF80  }
0x52: {  	[tilespmem:s21], [sflag:$0x6] =	stream.indirect.gather [hbm4b:s5+s12], $0x80, s16, s12, $0xb8;
	[tilespmem:$0x1C400] =	vst v63  }
0x53: {  	_ =	swait.ge [sflag:s22], $0x4000  }
0x54: {  	[sflag:s22] =	ssyncset.done $0x0  }
0x55: {  	s3 =	sadd.s32 $0xFFFFFFF0, s29;
	s31 =	simm.s32 $0x60;
	[sflag:s22] =	ssyncadd.s32 $0xFFFFC000  }
0x56: {  	[spmem:s2] =	stream.indirect.scatter.add.f32 [tilespmem:s19], [sflag:$0x7], $0x80, s15, s12, $0xb8;
	[tilespmem:$0x1C400] =	vst v63  }
0x57: {  	s31 =	sand.u32 $0x60, s31;
	s30 =	sand.u32 $0x1FF80, s3;
	_ =	swait.ge [sflag:s8], $0x4000  }
0x58: {  	s30 =	sor.u32 s31, s30;
	[sflag:s8] =	ssyncset.done $0x0  }
0x59: {  	s31 =	sadd.s32 s6, s30;
	[sflag:s8] =	ssyncadd.s32 $0xFFFFC000  }
0x5a: {  	[tilespmem:s14], [sflag:$0x3] =	stream.linear.gather [hbm4b:s31+s7], $0x80, $0x38;
	[tilespmem:$0x1C400] =	vst v63  }
0x5b: {  	s30 =	sadd.s32 s10, s30  }
0x5c: {  	[tilespmem:s15], [sflag:$0x3] =	stream.linear.gather [hbm4b:s30+s7], $0x80, $0x38;
	[tilespmem:$0x1C400] =	vst v63  }
0x5d: {  	_ =	swait.ge [sflag:s18], $0x80  }
0x5e: {  	[sflag:s18] =	ssyncset.done $0x0  }
0x5f: {  	[sflag:s18] =	ssyncadd.s32 $0xFFFFFF80  }
0x60: {  	_ =	swait.ge [sflag:s18], $0x80  }
0x61: {  	[sflag:s18] =	ssyncset.done $0x0  }
0x62: {  	[sflag:s18] =	ssyncadd.s32 $0xFFFFFF80  }
0x63: {  	[tilespmem:s19], [sflag:$0x5] =	stream.indirect.gather [hbm4b:s5+s12], $0x80, s7, s12, $0xb8;
	[tilespmem:$0x1C400] =	vst v63  }
0x64: {  	_ =	swait.ge [sflag:s24], $0x4000  }
0x65: {  	[sflag:s24] =	ssyncset.done $0x0  }
0x66: {  	s4 =	simm.s32 $0x70;
	[sflag:s24] =	ssyncadd.s32 $0xFFFFC000  }
0x67: {  	[spmem:s2] =	stream.indirect.scatter.add.f32 [tilespmem:s21], [sflag:$0x7], $0x80, s17, s12, $0xb8;
	[tilespmem:$0x1C400] =	vst v63  }
0x68: {  	s29 =	sand.u32 $0x1FF80, s29;
	s30 =	sand.u32 $0x70, s4;
	_ =	swait.ge [sflag:s8], $0x4000  }
0x69: {  	s29 =	sor.u32 s30, s29;
	[sflag:s8] =	ssyncset.done $0x0  }
0x6a: {  	s30 =	sadd.s32 s6, s29;
	[sflag:s8] =	ssyncadd.s32 $0xFFFFC000  }
0x6b: {  	[tilespmem:s16], [sflag:$0x4] =	stream.linear.gather [hbm4b:s30+s7], $0x80, $0x38;
	[tilespmem:$0x1C400] =	vst v63  }
0x6c: {  	s29 =	sadd.s32 s10, s29  }
0x6d: {  	[tilespmem:s17], [sflag:$0x4] =	stream.linear.gather [hbm4b:s29+s7], $0x80, $0x38;
	[tilespmem:$0x1C400] =	vst v63  }
0x6e: {  	_ =	swait.ge [sflag:s20], $0x80  }
0x6f: {  	[sflag:s20] =	ssyncset.done $0x0  }
0x70: {  	s30 =	sadd.s32 s28, s25;
	[sflag:s20] =	ssyncadd.s32 $0xFFFFFF80  }
0x71: {  	s31 =	sadd.s32 $0x33600, s30;
	_ =	swait.ge [sflag:s20], $0x80  }
0x72: {  	s28 =	simm.s32 $0xB0;
	[dreg:$0x6] =	wrdreg s31;
	[sflag:s20] =	ssyncset.done $0x0  }
.LBB2_2:
0x73: {  	p0 =	sne.s32 s28, $0x9F0  }
0x74: {  	[sflag:s20] =	ssyncadd.s32 $0xFFFFFF80;
	s29 =	smov.u32 s28;
	s28 =	sadd.s32 $0x40, s28  }
0x75: {  	[tilespmem:s21], [sflag:$0x6] =	stream.indirect.gather [hbm4b:s5+s12], $0x80, s12, s12, $0xb8;
	[tilespmem:$0x1C400] =	vst v63  }
0x76: {  	s30 =	sadd.s32 $0xFFFFFFE0, s29;
	_ =	swait.ge [sflag:s22], $0x4000  }
0x77: {  	s31 =	sand.u32 $0x70, s29;
	s30 =	sand.u32 $0x50, s30;
	[sflag:s22] =	ssyncset.done $0x0  }
0x78: {  	s0 =	sadd.s32 s29, s9;
	s3 =	sadd.s32 $0xFFFFFFD0, s29;
	[sflag:s22] =	ssyncadd.s32 $0xFFFFC000  }
0x79: {  	[spmem:s2] =	stream.indirect.scatter.add.f32 [tilespmem:s19], [sflag:$0x7], $0x80, s11, s12, $0xb8;
	[tilespmem:$0x1C400] =	vst v63  }
0x7a: {  	s4 =	sadd.s32 $0xFFFFFFD0, s0;
	s3 =	sand.u32 $0x40, s3;
	_ =	swait.ge [sflag:s8], $0x4000  }
0x7b: {  	s25 =	sadd.s32 $0xFFFFFFE0, s0;
	s4 =	sand.u32 $0x1FF80, s4;
	[sflag:s8] =	ssyncset.done $0x0  }
0x7c: {  	s3 =	sor.u32 s3, s4;
	s4 =	sand.u32 $0x1FF80, s25;
	[sflag:s8] =	ssyncadd.s32 $0xFFFFC000  }
0x7d: {  	s25 =	sadd.s32 s6, s3;
	s3 =	sadd.s32 s10, s3;
	s4 =	sor.u32 s30, s4  }
0x7e: {  	[tilespmem:s7], [sflag:$0x1] =	stream.linear.gather [hbm4b:s25+s7], $0x80, $0x38;
	[tilespmem:$0x1C400] =	vst v63  }
0x7f: {  	s29 =	sadd.s32 $0xFFFFFFF0, s29;
	s25 =	sadd.s32 $0xFFFFFFF0, s0;
	s0 =	sand.u32 $0x1FF80, s0  }
0x80: {  	[tilespmem:s11], [sflag:$0x1] =	stream.linear.gather [hbm4b:s3+s7], $0x80, $0x38;
	[tilespmem:$0x1C400] =	vst v63  }
0x81: {  	s3 =	sand.u32 $0x1FF80, s25;
	s25 =	sand.u32 $0x60, s29;
	_ =	swait.ge [sflag:s23], $0x80  }
0x82: {  	s29 =	sor.u32 s31, s0;
	s3 =	sor.u32 s25, s3;
	[sflag:s23] =	ssyncset.done $0x0  }
0x83: {  	[sflag:s23] =	ssyncadd.s32 $0xFFFFFF80  }
0x84: {  	_ =	swait.ge [sflag:s23], $0x80  }
0x85: {  	[sflag:s23] =	ssyncset.done $0x0  }
0x86: {  	[sflag:s23] =	ssyncadd.s32 $0xFFFFFF80  }
0x87: {  	[tilespmem:s19], [sflag:$0x5] =	stream.indirect.gather [hbm4b:s5+s12], $0x80, s14, s12, $0xb8;
	[tilespmem:$0x1C400] =	vst v63  }
0x88: {  	_ =	swait.ge [sflag:s24], $0x4000  }
0x89: {  	[sflag:s24] =	ssyncset.done $0x0  }
0x8a: {  	[sflag:s24] =	ssyncadd.s32 $0xFFFFC000  }
0x8b: {  	[spmem:s2] =	stream.indirect.scatter.add.f32 [tilespmem:s21], [sflag:$0x7], $0x80, s13, s12, $0xb8;
	[tilespmem:$0x1C400] =	vst v63  }
0x8c: {  	_ =	swait.ge [sflag:s8], $0x4000  }
0x8d: {  	s0 =	sadd.s32 s6, s4;
	[sflag:s8] =	ssyncset.done $0x0  }
0x8e: {  	s4 =	sadd.s32 s10, s4;
	[sflag:s8] =	ssyncadd.s32 $0xFFFFC000  }
0x8f: {  	[tilespmem:s12], [sflag:$0x2] =	stream.linear.gather [hbm4b:s0+s7], $0x80, $0x38;
	[tilespmem:$0x1C400] =	vst v63  }
0x90: {  	_ = 	snop  }
0x91: {  	[tilespmem:s13], [sflag:$0x2] =	stream.linear.gather [hbm4b:s4+s7], $0x80, $0x38;
	[tilespmem:$0x1C400] =	vst v63  }
0x92: {  	_ =	swait.ge [sflag:s26], $0x80  }
0x93: {  	[sflag:s26] =	ssyncset.done $0x0  }
0x94: {  	[sflag:s26] =	ssyncadd.s32 $0xFFFFFF80  }
0x95: {  	_ =	swait.ge [sflag:s26], $0x80  }
0x96: {  	[sflag:s26] =	ssyncset.done $0x0  }
0x97: {  	[sflag:s26] =	ssyncadd.s32 $0xFFFFFF80  }
0x98: {  	[tilespmem:s21], [sflag:$0x6] =	stream.indirect.gather [hbm4b:s5+s12], $0x80, s16, s12, $0xb8;
	[tilespmem:$0x1C400] =	vst v63  }
0x99: {  	_ =	swait.ge [sflag:s22], $0x4000  }
0x9a: {  	[sflag:s22] =	ssyncset.done $0x0  }
0x9b: {  	[sflag:s22] =	ssyncadd.s32 $0xFFFFC000  }
0x9c: {  	[spmem:s2] =	stream.indirect.scatter.add.f32 [tilespmem:s19], [sflag:$0x7], $0x80, s15, s12, $0xb8;
	[tilespmem:$0x1C400] =	vst v63  }
0x9d: {  	_ =	swait.ge [sflag:s8], $0x4000  }
0x9e: {  	s0 =	sadd.s32 s6, s3;
	[sflag:s8] =	ssyncset.done $0x0  }
0x9f: {  	s3 =	sadd.s32 s10, s3;
	[sflag:s8] =	ssyncadd.s32 $0xFFFFC000  }
0xa0: {  	[tilespmem:s14], [sflag:$0x3] =	stream.linear.gather [hbm4b:s0+s7], $0x80, $0x38;
	[tilespmem:$0x1C400] =	vst v63  }
0xa1: {  	_ = 	snop  }
0xa2: {  	[tilespmem:s15], [sflag:$0x3] =	stream.linear.gather [hbm4b:s3+s7], $0x80, $0x38;
	[tilespmem:$0x1C400] =	vst v63  }
0xa3: {  	_ =	swait.ge [sflag:s18], $0x80  }
0xa4: {  	[sflag:s18] =	ssyncset.done $0x0  }
0xa5: {  	[sflag:s18] =	ssyncadd.s32 $0xFFFFFF80  }
0xa6: {  	_ =	swait.ge [sflag:s18], $0x80  }
0xa7: {  	[sflag:s18] =	ssyncset.done $0x0  }
0xa8: {  	[sflag:s18] =	ssyncadd.s32 $0xFFFFFF80  }
0xa9: {  	[tilespmem:s19], [sflag:$0x5] =	stream.indirect.gather [hbm4b:s5+s12], $0x80, s7, s12, $0xb8;
	[tilespmem:$0x1C400] =	vst v63  }
0xaa: {  	_ =	swait.ge [sflag:s24], $0x4000  }
0xab: {  	[sflag:s24] =	ssyncset.done $0x0  }
0xac: {  	[sflag:s24] =	ssyncadd.s32 $0xFFFFC000  }
0xad: {  	[spmem:s2] =	stream.indirect.scatter.add.f32 [tilespmem:s21], [sflag:$0x7], $0x80, s17, s12, $0xb8;
	[tilespmem:$0x1C400] =	vst v63  }
0xae: {  	_ =	swait.ge [sflag:s8], $0x4000  }
0xaf: {  	s0 =	sadd.s32 s6, s29;
	[sflag:s8] =	ssyncset.done $0x0  }
0xb0: {  	s3 =	sadd.s32 s10, s29;
	[sflag:s8] =	ssyncadd.s32 $0xFFFFC000  }
0xb1: {  	[tilespmem:s16], [sflag:$0x4] =	stream.linear.gather [hbm4b:s0+s7], $0x80, $0x38;
	[tilespmem:$0x1C400] =	vst v63  }
0xb2: {  	_ = 	snop  }
0xb3: {  	[tilespmem:s17], [sflag:$0x4] =	stream.linear.gather [hbm4b:s3+s7], $0x80, $0x38;
	[tilespmem:$0x1C400] =	vst v63  }
.Ltmp1:
0xb4: {  	_ =	swait.ge [sflag:s20], $0x80;
	(pc) =	sbr.rel @p0 .LBB2_2-.Ltmp1, $4  }
0xb5: {  	[sflag:s20] =	ssyncset.done $0x0  }
0xb6: {  	[sflag:s20] =	ssyncadd.s32 $0xFFFFFF80  }
0xb7: {  	_ =	swait.ge [sflag:s20], $0x80  }
0xb8: {  	[sflag:s20] =	ssyncset.done $0x0  }
0xb9: {  	[sflag:s20] =	ssyncadd.s32 $0xFFFFFF80;
	s0 =	simm.s32 $0x5  }
0xba: {  	[tilespmem:s21], [sflag:$0x6] =	stream.indirect.gather [hbm4b:s5+s12], $0x80, s12, s12, $0xb8;
	[tilespmem:$0x1C400] =	vst v63  }
0xbb: {  	_ =	swait.ge [sflag:s0], $0x4000  }
0xbc: {  	s3 =	simm.s32 $0x80;
	s4 =	simm.s32 $0x200;
	[sflag:s0] =	ssyncset.done $0x0  }
0xbd: {  	s6 =	simm.s32 $0x400;
	s21 =	simm.s32 $0x7;
	[sflag:s0] =	ssyncadd.s32 $0xFFFFC000  }
0xbe: {  	[spmem:s2] =	stream.indirect.scatter.add.f32 [tilespmem:s6], [sflag:$0x7], $0x80, s4, s3, $0xb8;
	[tilespmem:$0x1C400] =	vst v63  }
0xbf: {  	_ =	swait.ge [sflag:s21], $0x4000  }
0xc0: {  	[sflag:s21] =	ssyncset.done $0x0  }
0xc1: {  	s7 =	simm.s32 $0x3;
	[sflag:s21] =	ssyncadd.s32 $0xFFFFC000  }
0xc2: {  	_ =	swait.ge [sflag:s7], $0x80  }
0xc3: {  	[sflag:s7] =	ssyncset.done $0x0  }
0xc4: {  	[sflag:s7] =	ssyncadd.s32 $0xFFFFFF80  }
0xc5: {  	_ =	swait.ge [sflag:s7], $0x80  }
0xc6: {  	[sflag:s7] =	ssyncset.done $0x0  }
0xc7: {  	s22 =	simm.s32 $0x100;
	s23 =	simm.s32 $0x6;
	[sflag:s7] =	ssyncadd.s32 $0xFFFFFF80  }
0xc8: {  	[tilespmem:s6], [sflag:$0x5] =	stream.indirect.gather [hbm4b:s5+s3], $0x80, s22, s3, $0xb8;
	[tilespmem:$0x1C400] =	vst v63  }
0xc9: {  	_ =	swait.ge [sflag:s23], $0x4000  }
0xca: {  	[sflag:s23] =	ssyncset.done $0x0  }
0xcb: {  	s8 =	simm.s32 $0x280;
	s9 =	simm.s32 $0x4400;
	[sflag:s23] =	ssyncadd.s32 $0xFFFFC000  }
0xcc: {  	[spmem:s2] =	stream.indirect.scatter.add.f32 [tilespmem:s9], [sflag:$0x7], $0x80, s8, s3, $0xb8;
	[tilespmem:$0x1C400] =	vst v63  }
0xcd: {  	_ =	swait.ge [sflag:s21], $0x4000  }
0xce: {  	[sflag:s21] =	ssyncset.done $0x0  }
0xcf: {  	s24 =	simm.s32 $0x4;
	[sflag:s21] =	ssyncadd.s32 $0xFFFFC000  }
0xd0: {  	_ =	swait.ge [sflag:s24], $0x80  }
0xd1: {  	[sflag:s24] =	ssyncset.done $0x0  }
0xd2: {  	[sflag:s24] =	ssyncadd.s32 $0xFFFFFF80  }
0xd3: {  	_ =	swait.ge [sflag:s24], $0x80  }
0xd4: {  	[sflag:s24] =	ssyncset.done $0x0  }
0xd5: {  	s25 =	simm.s32 $0x180;
	[sflag:s24] =	ssyncadd.s32 $0xFFFFFF80  }
0xd6: {  	[tilespmem:s9], [sflag:$0x6] =	stream.indirect.gather [hbm4b:s5+s3], $0x80, s25, s3, $0xb8;
	[tilespmem:$0x1C400] =	vst v63  }
0xd7: {  	_ =	swait.ge [sflag:s0], $0x4000  }
0xd8: {  	[sflag:s0] =	ssyncset.done $0x0  }
0xd9: {  	s26 =	simm.s32 $0x300;
	[sflag:s0] =	ssyncadd.s32 $0xFFFFC000  }
0xda: {  	[spmem:s2] =	stream.indirect.scatter.add.f32 [tilespmem:s6], [sflag:$0x7], $0x80, s26, s3, $0xb8;
	[tilespmem:$0x1C400] =	vst v63  }
0xdb: {  	_ =	swait.ge [sflag:s21], $0x4000  }
0xdc: {  	[sflag:s21] =	ssyncset.done $0x0  }
0xdd: {  	[sflag:s21] =	ssyncadd.s32 $0xFFFFC000  }
0xde: {  	_ =	swait.ge [sflag:s23], $0x4000  }
0xdf: {  	[sflag:s23] =	ssyncset.done $0x0  }
0xe0: {  	s28 =	simm.s32 $0x380;
	[sflag:s23] =	ssyncadd.s32 $0xFFFFC000  }
0xe1: {  	[spmem:s2] =	stream.indirect.scatter.add.f32 [tilespmem:s9], [sflag:$0x7], $0x80, s28, s3, $0xb8;
	[tilespmem:$0x1C400] =	vst v63  }
0xe2: {  	_ =	swait.ge [sflag:s21], $0x4000  }
0xe3: {  	[sflag:s21] =	ssyncset.done $0x0  }
0xe4: {  	[sflag:s21] =	ssyncadd.s32 $0xFFFFC000  }
0xe5: {  	[bflag:$0x0] =	sbarrier.arrive $0xFFFF  }
0xe6: {  	s29 =	rddreg [dreg:$0x4]  }
0xe7: {  	s30 =	rddreg [dreg:$0x5]  }
0xe8: {  	s31 =	rddreg [dreg:$0x6]  }
0xe9: {  	[hbm:s31], [sflag:s29] =	dma.local [spmem:s30], $0x2800  }
0xea: {  	_ =	swait.ge [sflag:s21], $0x2800  }
0xeb: {  	[sflag:s21] =	ssyncset.done $0x0  }
0xec: {  	[sflag:s21] =	ssyncadd.s32 $0xFFFFD800  }
0xed: {  	s0 =	rddreg [dreg:$0x3]  }
.LBB2_4:
0xee: {  	_ =	sfence.sel $0x180000  }
0xef: {  	[bflag:$0x0] =	sbarrier.arrive $0xFFFF  }
0xf0: {  	p0 =	sne.s32 s1, $0x0;
	_ =	strace $0x9000004A  }
0xf1: {  	s0 =	sadd.s32 @!p0 $0x100000, s0;
	[bflag:$0x2] =	sbarrier.arrive $0xFFFF  }
0xf2: {  	[sflag:s0] =	ssyncadd.tile.s32 @!p0 $0x1;
	_ =	shalt  }
.Lfunc_end2:
_tile_overlayer_lowered:
.L_overlay_start_2:
0xf3: {  	(tag) =	ssettag $0x2  }
0xf4: {  	s0 =	rddreg [dreg:$0x0];
	s2 =	stileid.u32  }
0xf5: {  	s1 =	rddreg [dreg:$0x1];
	p0 =	sne.s32 s2, $0x0  }
0xf6: {  	s3 =	rddreg [dreg:$0x2];
	[bflag:$0x3] =	sbarrier.arrive $0xFFFF;
	s2 =	simm.s32 @!p0 $0x1C07  }
0xf7: {  	[timem:s3], [sflag:s2] =	dma.local @!p0 [hbm:s0], s1  }
0xf8: {  	s0 =	simm.s32 @!p0 $0x7  }
0xf9: {  	_ =	swait.ge @!p0 [sflag:s0], s1  }
0xfa: {  	s1 =	ssub.s32 @!p0 $0x0, s1;
	[sflag:s0] =	ssyncset.done @!p0 $0x0  }
0xfb: {  	[sflag:s0] =	ssyncadd.s32 @!p0 s1  }
0xfc: {  	[bflag:$0x3] =	sbarrier.arrive $0xFFFF  }
0xfd: {  	_ =	shalt  }

// kernel: kernel.7.cloned.1.call-start
scs
__scs_entry_jumppad:
0x0: {  	(pc) =	sbr.rel $0x88, $3  }
0x1: {  	(tag) =	ssettag $0x0;
	lr =	simm.s32 $0x1  }
0x2: {  	[smem:$0x3F9B] =	sst lr;
	_ =	strace $0xD0000000  }
0x3: {  	_ = 	snop  }
0x4: {  	_ = 	snop  }
0x5: {  	_ = 	snop  }
0x6: {  	_ = 	snop  }
0x7: {  	_ = 	snop  }
__scs_overlays_trampoline_lowered:
0x8: {  	[smem:$0x3FAA] =	sst s0  }
0x9: {  	[smem:$0x3FAB] =	sst s1  }
0xa: {  	[smem:$0x3FAC] =	sst s2  }
0xb: {  	[smem:$0x3FAD] =	sst s3  }
0xc: {  	[smem:$0x3FAE] =	sst s4  }
0xd: {  	[smem:$0x3FAF] =	sst s5  }
0xe: {  	[smem:$0x3FB0] =	sst s6  }
0xf: {  	[smem:$0x3FB1] =	sst s7  }
0x10: {  	[smem:$0x3FB2] =	sst s8  }
0x11: {  	[smem:$0x3FB3] =	sst s9;
	s0 =	simm.s32 @!p0 $0x0  }
0x12: {  	s1 =	sld [smem:$0x3F99];
	s0 =	simm.s32 @p0 $0x1  }
0x13: {  	[smem:$0x3FB4] =	sst s0;
	s0 =	simm.s32 @!p1 $0x0  }
0x14: {  	s2 =	sld [smem:$0x3F98];
	s0 =	simm.s32 @p1 $0x1  }
0x15: {  	[smem:$0x3FB5] =	sst s0;
	s0 =	simm.s32 @!p2 $0x0  }
0x16: {  	s3 =	sld [smem:$0x3FDB];
	s0 =	simm.s32 @p2 $0x1  }
0x17: {  	s4 =	simm.s32 $0x1BF5;
	[smem:$0x3FB7] =	sst s0  }
0x18: {  	s0 =	sld [smem:$0x3F9A];
	_ =	swait.ge [sflag:s4], $0x0  }
0x19: {  	s7 =	sld [smem:$0x3F9B]  }
0x1a: {  	s8 =	sadd.s32 $0xFFFFE003, lr  }
0x1b: {  	s9 =	sadd.s32 $0xFFFFFEF7, lr;
	s5 =	simm.s32 $0xFFFFFFFF;
	p2 =	slt.u32 s8, $0xFFFFF086  }
0x1c: {  	p1 =	slt.u32 s9, $0xF7A;
	s5 =	simm.s32 @!p2 $0x0  }
0x1d: {  	s5 =	simm.s32 @p1 $0x1;
	p0 =	seq.s32 s7, s2  }
0x1e: {  	s7 =	smul.u32 @!p0 $0xF7A, s2;
	p2 =	seq.s32 @!p0 s5, $0x0  }
0x1f: {  	s9 =	smul.u32 $0xF7A, s1;
	s8 =	simm.s32 @!p0 $0x1BF5;
	p2 =	por !p2, p0  }
0x20: {  	[sflag:s8] =	ssyncset.s32 @!p0 $0xFFFFF086;
	s6 =	sadd.s32 @!p0 s3, s7;
	s7 =	simm.s32 @!p0 $0x108  }
0x21: {  	s3 =	sadd.s32 s3, s9;
	s6 =	sadd.s32 @!p0 $0x88, s6;
	s7 =	simm.s32 @p2 $0x1082  }
0x22: {  	[simem:s7], [sflag:s8] =	dma.local @!p0 [hbm:s6], $0xF7A  }
0x23: {  	s9 =	sor.u32 $0xD0000000, s2;
	s6 =	simm.s32 $0x108;
	_ =	swait.ge @!p0 [sflag:s8], $0x0  }
0x24: {  	s3 =	sadd.s32 $0x88, s3;
	s6 =	simm.s32 @!p1 $0x1082;
	[sflag:s4] =	ssyncset.s32 $0xFFFFF086  }
0x25: {  	[simem:s6], [sflag:s4] =	dma.local [hbm:s3], $0xF7A  }
0x26: {  	[smem:$0x3F9B] =	sst s1;
	(tag) =	ssettag s2;
	_ =	strace s9  }
0x27: {  	s1 =	sld [smem:$0x3FAB]  }
0x28: {  	s2 =	sld [smem:$0x3FAC]  }
0x29: {  	s4 =	sld [smem:$0x3FAE]  }
0x2a: {  	p0 =	seq.s32 s5, $0x0;
	s5 =	sld [smem:$0x3FAF]  }
0x2b: {  	s6 =	sld [smem:$0x3FB0]  }
0x2c: {  	s7 =	sld [smem:$0x3FB1]  }
0x2d: {  	s3 =	simm.s32 $0x108;
	s8 =	sld [smem:$0x3FB2]  }
0x2e: {  	s3 =	simm.s32 @!p0 $0x1082;
	s9 =	sld [smem:$0x3FB3]  }
0x2f: {  	lr =	sadd.s32 s0, s3;
	s0 =	sld [smem:$0x3FAA]  }
0x30: {  	s3 =	sld [smem:$0x3FAD]  }
0x31: {  	[smem:$0x3FB6] =	sst s10  }
0x32: {  	s10 =	sld [smem:$0x3FB4];
	_ =	sdelay $0x3  }
0x33: {  	p0 =	seq.s32 s10, $0x1;
	s10 =	sld [smem:$0x3FB6];
	_ =	sdelay $0x3  }
0x34: {  	[smem:$0x3FB6] =	sst s10  }
0x35: {  	s10 =	sld [smem:$0x3FB5];
	_ =	sdelay $0x3  }
0x36: {  	p1 =	seq.s32 s10, $0x1;
	s10 =	sld [smem:$0x3FB6];
	_ =	sdelay $0x3  }
0x37: {  	[smem:$0x3FB6] =	sst s10  }
0x38: {  	s10 =	sld [smem:$0x3FB7]  }
0x39: {  	_ = 	snop;
	(pc) =	sbr.ind lr, $3  }
0x3a: {  	_ = 	snop  }
0x3b: {  	_ = 	snop  }
0x3c: {  	p2 =	seq.s32 s10, $0x1;
	s10 =	sld [smem:$0x3FB6]  }
0x3d: {  	_ =	shalt  }
0x3e: {  	_ =	shalt  }
0x3f: {  	_ =	shalt  }
0x40: {  	_ =	shalt  }
0x41: {  	_ =	shalt  }
0x42: {  	_ =	shalt  }
0x43: {  	_ =	shalt  }
0x44: {  	_ =	shalt  }
0x45: {  	_ =	shalt  }
0x46: {  	_ =	shalt  }
0x47: {  	_ =	shalt  }
0x48: {  	_ =	shalt  }
0x49: {  	_ =	shalt  }
0x4a: {  	_ =	shalt  }
0x4b: {  	_ =	shalt  }
0x4c: {  	_ =	shalt  }
0x4d: {  	_ =	shalt  }
0x4e: {  	_ =	shalt  }
0x4f: {  	_ =	shalt  }
0x50: {  	_ =	shalt  }
0x51: {  	_ =	shalt  }
0x52: {  	_ =	shalt  }
0x53: {  	_ =	shalt  }
0x54: {  	_ =	shalt  }
0x55: {  	_ =	shalt  }
0x56: {  	_ =	shalt  }
0x57: {  	_ =	shalt  }
0x58: {  	_ =	shalt  }
0x59: {  	_ =	shalt  }
0x5a: {  	_ =	shalt  }
0x5b: {  	_ =	shalt  }
0x5c: {  	_ =	shalt  }
0x5d: {  	_ =	shalt  }
0x5e: {  	_ =	shalt  }
0x5f: {  	_ =	shalt  }
0x60: {  	_ =	shalt  }
0x61: {  	_ =	shalt  }
0x62: {  	_ =	shalt  }
0x63: {  	_ =	shalt  }
0x64: {  	_ =	shalt  }
0x65: {  	_ =	shalt  }
0x66: {  	_ =	shalt  }
0x67: {  	_ =	shalt  }
0x68: {  	_ =	shalt  }
0x69: {  	_ =	shalt  }
0x6a: {  	_ =	shalt  }
0x6b: {  	_ =	shalt  }
0x6c: {  	_ =	shalt  }
0x6d: {  	_ =	shalt  }
0x6e: {  	_ =	shalt  }
0x6f: {  	_ =	shalt  }
0x70: {  	_ =	shalt  }
0x71: {  	_ =	shalt  }
0x72: {  	_ =	shalt  }
0x73: {  	_ =	shalt  }
0x74: {  	_ =	shalt  }
0x75: {  	_ =	shalt  }
0x76: {  	_ =	shalt  }
0x77: {  	_ =	shalt  }
0x78: {  	_ =	shalt  }
0x79: {  	_ =	shalt  }
0x7a: {  	_ =	shalt  }
0x7b: {  	_ =	shalt  }
0x7c: {  	_ =	shalt  }
0x7d: {  	_ =	shalt  }
0x7e: {  	_ =	shalt  }
0x7f: {  	_ =	shalt  }
0x80: {  	_ =	shalt  }
0x81: {  	_ =	shalt  }
0x82: {  	_ =	shalt  }
0x83: {  	_ =	shalt  }
0x84: {  	_ =	shalt  }
0x85: {  	_ =	shalt  }
0x86: {  	_ =	shalt  }
0x87: {  	_ =	shalt  }
.Lfunc_end0:
.L_simem_size_0:
called_computation_lowered:
.L_overlay_start_0:
0x88: {  	s2 =	sld [smem:$0x3FD9]  }
0x89: {  	s3 =	sld [smem:$0x3FFE];
	_ =	sdelay $0x1  }
0x8a: {  	s1 =	srdreg.scid  }
0x8b: {  	s0 =	sand.u32 $0x1, s1  }
0x8c: {  	s16 =	sshll.u32 s0, $0xA;
	s2 =	sadd.s32 s3, s2  }
0x8d: {  	s2 =	sadd.s32 s2, s16  }
0x8e: {  	[smem:$0x3FC2] =	sst s2  }
0x8f: {  	_ = 	snop  }
0x90: {  	(tm) =	ssettm $0x1  }
0x91: {  	s17 =	sld [smem:$0x3FFB];
	_ =	sdelay $0x3  }
0x92: {  	_ =	strace s17  }
0x93: {  	s2 =	sld [smem:$0x3FFC];
	_ =	sdelay $0x3  }
0x94: {  	_ =	strace s2  }
0x95: {  	s2 =	sld [smem:$0x3FFD];
	_ =	sdelay $0x3  }
0x96: {  	_ =	strace s2  }
0x97: {  	_ =	strace $0x8FFFFFFF  }
0x98: {  	s18 =	sld [smem:$0x3FDB];
	_ =	sdelay $0x1  }
0x99: {  	s19 =	simm.s32 $_scs_section_size  }
0x9a: {  	s4 =	simm.s32 $_size__tile_overlayer_lowered;
	s5 =	simm.s32 $_tile_overlayer_lowered  }
0x9b: {  	s22 =	simm.s32 $0x1BFF;
	s21 =	sshll.u32 s5, $0x1;
	s2 =	sadd.s32 s19, s18  }
0x9c: {  	s6 =	simm.s32 $0x0;
	s20 =	sshll.u32 s4, $0x1;
	s4 =	sadd.s32 s21, s2  }
0x9d: {  	[timem:s6], [sflag:s22] =	dma.local [hbm:s4], s20  }
0x9e: {  	_ =	swait.ge [sflag:s22], s20  }
0x9f: {  	s3 =	ssub.s32 $0x0, s20;
	[sflag:s22] =	ssyncset.done $0x0  }
0xa0: {  	[sflag:s22] =	ssyncadd.s32 s3;
	_ =	sdelay $0x1  }
0xa1: {  	s23 =	simm.s32 $0x1B8B  }
0xa2: {  	_ =	swait.ge [sflag:s23], $0x1  }
0xa3: {  	[sflag:s23] =	ssyncset.done $0x0  }
0xa4: {  	s25 =	simm.s32 $0x1B8E;
	s24 =	sld [smem:$0x3FFE];
	[sflag:s23] =	ssyncadd.s32 $0xFFFFFFFF  }
0xa5: {  	s26 =	simm.s32 $execute0_lowered;
	[smem:$0x3FD2] =	sst s25  }
0xa6: {  	s4 =	sshll.u32 s26, $0x1;
	_ =	strace $0x80000046;
	[dreg:$0x1] =	wrdreg $0xFFFFFFFF  }
0xa7: {  	s28 =	simm.s32 $_size_execute0_lowered;
	s2 =	sadd.s32 s2, s4;
	[dreg:$0x0] =	wrdreg $0x0  }
0xa8: {  	s4 =	sshll.u32 s28, $0x1;
	[dreg:$0x2] =	wrdreg s2  }
0xa9: {  	[dreg:$0x3] =	wrdreg s4  }
0xaa: {  	[dreg:$0x4] =	wrdreg $0xC0  }
0xab: {  	_ =	task [dreg:s6], $0x5FFFF  }
0xac: {  	[dreg:$0x1] =	wrdreg $0xFFFFFFFF  }
0xad: {  	[dreg:$0x0] =	wrdreg $0x60  }
0xae: {  	[dreg:$0x2] =	wrdreg s24  }
0xaf: {  	[dreg:$0x3] =	wrdreg $0x28800  }
0xb0: {  	[dreg:$0x4] =	wrdreg $0x9  }
0xb1: {  	_ =	task.clear_ibuf [dreg:s6], $0x5FFFF;
	_ =	strace $0x90000046  }
0xb2: {  	s29 =	simm.s32 $0x9;
	_ =	strace $0x80000048  }
0xb3: {  	_ =	swait.ge [sflag:s29], $0x1  }
0xb4: {  	[sflag:s29] =	ssyncadd.s32 $0xFFFFFFFF  }
0xb5: {  	_ =	strace $0x90000048  }
0xb6: {  	_ =	sfence  }
0xb7: {  	s30 =	sld [smem:$0x0];
	_ =	sdelay $0x2  }
0xb8: {  	s31 =	sshll.u32 s1, $0xD;
	s1 =	sshrl.u32 s1, $0x2  }
0xb9: {  	s3 =	sand.u32 $0x4000, s31;
	s1 =	sadd.s32 s1, s30  }
0xba: {  	s0 =	sor.u32 s3, s0;
	s1 =	sshll.u32 s1, $0x11  }
0xbb: {  	s0 =	sor.u32 s1, s0  }
0xbc: {  	s0 =	sadd.s32 $0x8F2B, s0  }
0xbd: {  	[sflag:s0] =	ssyncadd.remote.s32 $0x1  }
0xbe: {  	_ =	sfence.sel $0xFFFF  }
0xbf: {  	[dreg:$0x0] =	wrdreg $0xFFFFFFFF;
	(pc) =	sbr.abs _section_cstart, $3  }
0xc0: {  	[dreg:$0x1] =	wrdreg $0xFFFFFFFF  }
0xc1: {  	_ =	task.clear_ibuf [dreg:s6], $0x2FFFF;
	_ =	strace $0x9FFFFFFF  }
0xc2: {  	(tm) =	ssettm $0x7FFFFFFF  }
0xc3: {  	_ =	shalt  }
tec
execute0_lowered:
.L_overlay_start_1:
0x0: {  	(tag) =	ssettag $0x1  }
0x1: {  	s5 =	rddreg [dreg:$0x0]  }
0x2: {  	s0 =	srdreg.scid;
	s2 =	rddreg [dreg:$0x1]  }
0x3: {  	s3 =	simm.s32 $0x0;
	s12 =	simm.s32 $0x2800;
	s13 =	simm.s32 $0x80  }
0x4: {  	s14 =	simm.s32 $0x0;
	s4 =	sand.u32 $0x1, s0;
	s0 =	stileid.u32  }
0x5: {  	[smem:$0x7FF] =	sst s3;
	s1 =	sshll.u32 s4, $0x4;
	s7 =	smul.u32 $0x280, s0  }
0x6: {  	s8 =	smul.u32 $0x2800, s4;
	s10 =	ssub.s32 $0x2, s4;
	s4 =	sadd.s32 $0xB600, s5  }
0x7: {  	s31 =	sshll.u32 s0, $0x6;
	s1 =	sor.u32 s0, s1;
	s11 =	sshrl.u32 s10, $0x1  }
0x8: {  	s6 =	smul.u32 $0x500, s1;
	s1 =	rddreg [dreg:$0x2];
	_ =	strace $0x80000047  }
0x9: {  	s29 =	sshrl.u32 s7, $0x3;
	s8 =	sadd.s32 s7, s8;
	s10 =	ssub.s32 s10, s11  }
0xa: {  	s30 =	sadd.s32 s7, s2;
	s11 =	simm.s32 $0x1;
	s8 =	sshrl.u32 s8, $0x3  }
0xb: {  	s9 =	sadd.s32 s6, s5;
	s6 =	sadd.s32 s29, s5;
	s8 =	sadd.s32 s8, s5  }
0xc: {  	s5 =	sadd.s32 $0xB800, s6;
	s6 =	sor.u32 $0x1C01, s31;
	s7 =	sadd.s32 $0x1600, s9  }
0xd: {  	s8 =	sadd.s32 $0xBE00, s8;
	s9 =	smax.u32 s10, $0x1;
	s10 =	sshrl.u32 s30, $0x3  }
.LBB2_1:
0xe: {  	[spmem:s10], [sflag:s6] =	dma.local [hbm:s5], $0x50  }
0xf: {  	_ =	swait.ge [sflag:s11], $0x50  }
0x10: {  	[sflag:s11] =	ssyncset.done $0x0  }
0x11: {  	[sflag:s11] =	ssyncadd.s32 $0xFFFFFFB0  }
0x12: {  	[tilespmem:s12], [sflag:$0x1] =	stream.linear.gather [hbm4b:s4+s3], $0x80, $0x38;
	[tilespmem:$0x2B00] =	vst v63  }
0x13: {  	_ =	swait.ge [sflag:s11], $0x80  }
0x14: {  	[sflag:s11] =	ssyncset.done $0x0  }
0x15: {  	[sflag:s11] =	ssyncadd.s32 $0xFFFFFF80  }
0x16: {  	[tilespmem:s3], [sflag:$0x1] =	stream.linear.gather [hbm4b:s7+s3], $0x2800, $0x38;
	[tilespmem:$0x2B00] =	vst v63  }
0x17: {  	_ =	swait.ge [sflag:s11], $0x2800  }
0x18: {  	[sflag:s11] =	ssyncset.done $0x0  }
0x19: {  	[sflag:s11] =	ssyncadd.s32 $0xFFFFD800  }
0x1a: {  	s15 =	simm.s32 $0x0;
	[bflag:$0x0] =	sbarrier.arrive $0xFFFF  }
0x1b: {  	[spmem:s2] =	stream.indirect.scatter.add.f32 [tilespmem:s12], [sflag:$0x1], $0x1, s15, s13, $0xb8;
	[tilespmem:$0x2B00] =	vst v63  }
0x1c: {  	_ =	swait.ge [sflag:s11], $0x80  }
0x1d: {  	s15 =	simm.s32 $0x200;
	[sflag:s11] =	ssyncset.done $0x0  }
.LBB2_2:
0x1e: {  	s16 =	sshra.s32 s15, $0x2;
	[sflag:s11] =	ssyncadd.s32 $0xFFFFFF80;
	p0 =	sne.s32 s15, $0x9E00  }
0x1f: {  	[spmem:s2] =	stream.indirect.scatter.add.f32 [tilespmem:s12], [sflag:$0x1], $0x1, s16, s13, $0xb8;
	[tilespmem:$0x2B00] =	vst v63  }
.Ltmp0:
0x20: {  	_ = 	snop;
	(pc) =	sbr.rel @p0 .LBB2_2-.Ltmp0, $4  }
0x21: {  	_ = 	snop  }
0x22: {  	s15 =	sadd.s32 $0x200, s15  }
0x23: {  	_ =	swait.ge [sflag:s11], $0x80  }
0x24: {  	[sflag:s11] =	ssyncset.done $0x0  }
0x25: {  	s14 =	sadd.s32 $0x1, s14  }
0x26: {  	[sflag:s11] =	ssyncadd.s32 $0xFFFFFF80;
	p0 =	sne.s32 s14, s9  }
.Ltmp1:
0x27: {  	[bflag:$0x0] =	sbarrier.arrive $0xFFFF;
	(pc) =	sbr.rel @p0 .LBB2_1-.Ltmp1, $4  }
0x28: {  	[hbm:s8], [sflag:s6] =	dma.local [spmem:s10], $0x50  }
0x29: {  	_ =	swait.ge [sflag:s11], $0x50  }
0x2a: {  	[sflag:s11] =	ssyncset.done $0x0  }
0x2b: {  	[sflag:s11] =	ssyncadd.s32 $0xFFFFFFB0  }
0x2c: {  	_ =	sfence.sel $0x180000  }
0x2d: {  	[bflag:$0x0] =	sbarrier.arrive $0xFFFF  }
0x2e: {  	p0 =	sne.s32 s0, $0x0;
	_ =	strace $0x90000047  }
0x2f: {  	s0 =	sadd.s32 @!p0 $0x100000, s1;
	[bflag:$0x2] =	sbarrier.arrive $0xFFFF  }
0x30: {  	[sflag:s0] =	ssyncadd.tile.s32 @!p0 $0x1;
	_ =	shalt  }
.Lfunc_end2:
_tile_overlayer_lowered:
.L_overlay_start_2:
0x31: {  	(tag) =	ssettag $0x2  }
0x32: {  	s0 =	rddreg [dreg:$0x0];
	s2 =	stileid.u32  }
0x33: {  	s1 =	rddreg [dreg:$0x1];
	p0 =	sne.s32 s2, $0x0  }
0x34: {  	s3 =	rddreg [dreg:$0x2];
	[bflag:$0x3] =	sbarrier.arrive $0xFFFF;
	s2 =	simm.s32 @!p0 $0x1C01  }
0x35: {  	[timem:s3], [sflag:s2] =	dma.local @!p0 [hbm:s0], s1  }
0x36: {  	s0 =	simm.s32 @!p0 $0x1  }
0x37: {  	_ =	swait.ge @!p0 [sflag:s0], s1  }
0x38: {  	s1 =	ssub.s32 @!p0 $0x0, s1;
	[sflag:s0] =	ssyncset.done @!p0 $0x0  }
0x39: {  	[sflag:s0] =	ssyncadd.s32 @!p0 s1  }
0x3a: {  	[bflag:$0x3] =	sbarrier.arrive $0xFFFF  }
0x3b: {  	_ =	shalt  }

</sc_bundles>
